<compile_context>
chip_gen: v7x
topology: tpu7x:2x2x1
jax: 0.10.2.dev20260603
libtpu: 0.0.44.dev20260713+nightly
codegen_flags: <defaults>
</compile_context>

<pallas_src>
import functools

import jax
import jax.numpy as jnp
from jax import lax
from jax.experimental import pallas as pl
from jax.experimental.pallas import tpu as pltpu
from jax.experimental.pallas import tpu_sc as plsc

N = 10000
E = 320000
D_IN = 128
D_HID = 64

NC = 2
NS = 16
NW = NC * NS
CHUNK = 128
EROWS = E // CHUNK
ROWS_BASE = EROWS // NW
ROWS_EXTRA = EROWS - ROWS_BASE * NW
NCHUNK3 = ROWS_BASE // 3
ROWS_PER_TILE = 624
ROWS_TAIL = N - ROWS_PER_TILE * NS
DEG_W = 16
RB = ROWS_PER_TILE // 16


def _mm1_body(x_ref, w_ref, b_ref, o_ref):
    o_ref[...] = (
        jnp.dot(x_ref[...], w_ref[...], preferred_element_type=jnp.float32)
        + b_ref[...]
    )


def _stage1(x, W1, b1):
    B = 1000
    x2 = x.reshape(N // 2, 2 * D_IN)
    wbd = jnp.zeros((2 * D_IN, 2 * D_HID), jnp.float32)
    wbd = wbd.at[:D_IN, :D_HID].set(W1).at[D_IN:, D_HID:].set(W1)
    bbd = jnp.concatenate([b1, b1]).reshape(1, 2 * D_HID)
    h2 = pl.pallas_call(
        _mm1_body,
        grid=(N // 2 // B,),
        in_specs=[
            pl.BlockSpec((B, 2 * D_IN), lambda i: (i, 0)),
            pl.BlockSpec((2 * D_IN, 2 * D_HID), lambda i: (0, 0)),
            pl.BlockSpec((1, 2 * D_HID), lambda i: (0, 0)),
        ],
        out_specs=pl.BlockSpec((B, 2 * D_HID), lambda i: (i, 0)),
        out_shape=jax.ShapeDtypeStruct((N // 2, 2 * D_HID), jnp.float32),
    )(x2, wbd, bbd)
    return h2.reshape(N, D_HID)


def _sc_deg_body(edges_hbm, z16_hbm, ones_hbm, deg_out,
                 deg_sh, dst_v, ones_v, sem_a, sem_b):
    cid = lax.axis_index("c")
    sid = lax.axis_index("s")
    wid = sid * NC + cid

    rbase = sid * ROWS_PER_TILE
    pltpu.sync_copy(z16_hbm.at[pl.ds(rbase, ROWS_PER_TILE)],
                    deg_sh.at[pl.ds(rbase, ROWS_PER_TILE)])

    @pl.when(sid == NS - 1)
    def _zero_tail():
        tb = ROWS_PER_TILE * NS
        pltpu.sync_copy(z16_hbm.at[pl.ds(tb, ROWS_TAIL)],
                        deg_sh.at[pl.ds(tb, ROWS_TAIL)])

    row_off = ROWS_BASE * wid + jnp.minimum(wid, ROWS_EXTRA)
    pltpu.sync_copy(edges_hbm.at[1, pl.ds(row_off, ROWS_BASE)],
                    dst_v.at[pl.ds(0, ROWS_BASE)])

    @pl.when(wid < ROWS_EXTRA)
    def _stage_extra():
        pltpu.sync_copy(edges_hbm.at[1, pl.ds(row_off + ROWS_BASE, 1)],
                        dst_v.at[pl.ds(ROWS_BASE, 1)])

    pltpu.sync_copy(ones_hbm, ones_v)
    plsc.subcore_barrier()

    def _fire(j, sem):
        pltpu.async_copy(ones_v, deg_sh.at[dst_v.at[j]], sem, add=True)

    def _wait(j, sem):
        pltpu.make_async_copy(ones_v, deg_sh.at[dst_v.at[j]], sem).wait()

    _fire(0, sem_a)

    def body(jj, carry):
        j0 = 2 * jj
        _fire(j0 + 1, sem_b)
        _wait(j0, sem_a)

        @pl.when(jj + 1 < ROWS_BASE // 2)
        def _():
            _fire(j0 + 2, sem_a)

        _wait(j0 + 1, sem_b)
        return carry

    lax.fori_loop(0, ROWS_BASE // 2, body, 0)

    @pl.when(wid < ROWS_EXTRA)
    def _extra_chunk():
        _fire(ROWS_BASE, sem_a)
        _wait(ROWS_BASE, sem_a)

    plsc.subcore_barrier()

    pltpu.sync_copy(deg_sh.at[pl.ds(rbase, ROWS_PER_TILE)],
                    deg_out.at[pl.ds(rbase, ROWS_PER_TILE),
                               pl.ds(cid * DEG_W, DEG_W)])

    @pl.when(sid == NS - 1)
    def _publish_tail():
        tb = ROWS_PER_TILE * NS
        pltpu.sync_copy(deg_sh.at[pl.ds(tb, ROWS_TAIL)],
                        deg_out.at[pl.ds(tb, ROWS_TAIL),
                                   pl.ds(cid * DEG_W, DEG_W)])


def _sc_deg(edges3):
    z16 = jnp.zeros((N, DEG_W), jnp.float32)
    ones = jnp.ones((CHUNK, DEG_W), jnp.float32)
    mesh = plsc.VectorSubcoreMesh(core_axis_name="c", subcore_axis_name="s")
    f = functools.partial(
        pl.kernel,
        out_type=jax.ShapeDtypeStruct((N, 8 * DEG_W), jnp.float32),
        mesh=mesh,
        compiler_params=pltpu.CompilerParams(use_tc_tiling_on_sc=False),
        scratch_types=[
            pltpu.VMEM_SHARED((N, DEG_W), jnp.float32),
            pltpu.VMEM((ROWS_BASE + 1, CHUNK), jnp.int32),
            pltpu.VMEM((CHUNK, DEG_W), jnp.float32),
            pltpu.SemaphoreType.DMA,
            pltpu.SemaphoreType.DMA,
        ],
    )(_sc_deg_body)
    return f(edges3, z16, ones)


def _sc_agg_body(h_hbm, edges_hbm, z64_hbm,
                 agg_out,
                 agg_sh, src_v, dst_v, rows0, rows1, rows2,
                 sem_g0, sem_g1, sem_g2, sem_s0, sem_s1, sem_s2):
    cid = lax.axis_index("c")
    sid = lax.axis_index("s")
    wid = sid * NC + cid

    rbase = sid * ROWS_PER_TILE
    pltpu.sync_copy(z64_hbm.at[pl.ds(rbase, ROWS_PER_TILE)],
                    agg_sh.at[pl.ds(rbase, ROWS_PER_TILE)])

    @pl.when(sid == NS - 1)
    def _zero_tail():
        tb = ROWS_PER_TILE * NS
        pltpu.sync_copy(z64_hbm.at[pl.ds(tb, ROWS_TAIL)],
                        agg_sh.at[pl.ds(tb, ROWS_TAIL)])

    row_off = ROWS_BASE * wid + jnp.minimum(wid, ROWS_EXTRA)
    pltpu.sync_copy(edges_hbm.at[0, pl.ds(row_off, ROWS_BASE)],
                    src_v.at[pl.ds(0, ROWS_BASE)])
    pltpu.sync_copy(edges_hbm.at[1, pl.ds(row_off, ROWS_BASE)],
                    dst_v.at[pl.ds(0, ROWS_BASE)])

    @pl.when(wid < ROWS_EXTRA)
    def _stage_extra():
        pltpu.sync_copy(edges_hbm.at[0, pl.ds(row_off + ROWS_BASE, 1)],
                        src_v.at[pl.ds(ROWS_BASE, 1)])
        pltpu.sync_copy(edges_hbm.at[1, pl.ds(row_off + ROWS_BASE, 1)],
                        dst_v.at[pl.ds(ROWS_BASE, 1)])

    plsc.subcore_barrier()

    def _fire_gather(j, buf, sem):
        pltpu.async_copy(h_hbm.at[src_v.at[j]], buf, sem)

    def _wait_gather(j, buf, sem):
        pltpu.make_async_copy(h_hbm.at[src_v.at[j]], buf, sem).wait()

    def _fire_scatter(j, buf, sem):
        pltpu.async_copy(buf, agg_sh.at[dst_v.at[j]], sem, add=True)

    def _wait_scatter(j, buf, sem):
        pltpu.make_async_copy(buf, agg_sh.at[dst_v.at[j]], sem).wait()

    _fire_gather(0, rows0, sem_g0)

    def body(jj, carry):
        j0 = 3 * jj

        @pl.when(jj > 0)
        def _():
            _wait_scatter(j0 - 2, rows1, sem_s1)

        _fire_gather(j0 + 1, rows1, sem_g1)
        _wait_gather(j0, rows0, sem_g0)
        _fire_scatter(j0, rows0, sem_s0)

        @pl.when(jj > 0)
        def _():
            _wait_scatter(j0 - 1, rows2, sem_s2)

        _fire_gather(j0 + 2, rows2, sem_g2)
        _wait_gather(j0 + 1, rows1, sem_g1)
        _fire_scatter(j0 + 1, rows1, sem_s1)
        _wait_scatter(j0, rows0, sem_s0)

        @pl.when(jj + 1 < NCHUNK3)
        def _():
            _fire_gather(j0 + 3, rows0, sem_g0)

        _wait_gather(j0 + 2, rows2, sem_g2)
        _fire_scatter(j0 + 2, rows2, sem_s2)
        return carry

    lax.fori_loop(0, NCHUNK3, body, 0)
    _wait_scatter(ROWS_BASE - 2, rows1, sem_s1)
    _wait_scatter(ROWS_BASE - 1, rows2, sem_s2)

    @pl.when(wid < ROWS_EXTRA)
    def _extra_chunk():
        _fire_gather(ROWS_BASE, rows0, sem_g0)
        _wait_gather(ROWS_BASE, rows0, sem_g0)
        _fire_scatter(ROWS_BASE, rows0, sem_s0)
        _wait_scatter(ROWS_BASE, rows0, sem_s0)

    plsc.subcore_barrier()

    pltpu.sync_copy(agg_sh.at[pl.ds(rbase, ROWS_PER_TILE)],
                    agg_out.at[pl.ds(rbase, ROWS_PER_TILE),
                               pl.ds(cid * D_HID, D_HID)])

    @pl.when(sid == NS - 1)
    def _publish_tail():
        tb = ROWS_PER_TILE * NS
        pltpu.sync_copy(agg_sh.at[pl.ds(tb, ROWS_TAIL)],
                        agg_out.at[pl.ds(tb, ROWS_TAIL),
                                   pl.ds(cid * D_HID, D_HID)])


def _sc_agg(h, edges3):
    z64 = jnp.zeros((N, D_HID), jnp.float32)
    mesh = plsc.VectorSubcoreMesh(core_axis_name="c", subcore_axis_name="s")
    f = functools.partial(
        pl.kernel,
        out_type=jax.ShapeDtypeStruct((N, 2 * D_HID), jnp.float32),
        mesh=mesh,
        compiler_params=pltpu.CompilerParams(use_tc_tiling_on_sc=False),
        scratch_types=[
            pltpu.VMEM_SHARED((N, D_HID), jnp.float32),
            pltpu.VMEM((ROWS_BASE + 1, CHUNK), jnp.int32),
            pltpu.VMEM((ROWS_BASE + 1, CHUNK), jnp.int32),
            pltpu.VMEM((CHUNK, D_HID), jnp.float32),
            pltpu.VMEM((CHUNK, D_HID), jnp.float32),
            pltpu.VMEM((CHUNK, D_HID), jnp.float32),
            pltpu.SemaphoreType.DMA,
            pltpu.SemaphoreType.DMA,
            pltpu.SemaphoreType.DMA,
            pltpu.SemaphoreType.DMA,
            pltpu.SemaphoreType.DMA,
            pltpu.SemaphoreType.DMA,
        ],
    )(_sc_agg_body)
    return f(h, edges3, z64)


def _fin_body(agg_ref, deg_ref, w_ref, b_ref, a_ref, o_ref):
    s = agg_ref[:, :D_HID] + agg_ref[:, D_HID:]
    d = deg_ref[:, 0:1] + deg_ref[:, DEG_W:DEG_W + 1]
    m = s / jnp.maximum(d, 1.0)
    p = jnp.where(m >= 0, m, a_ref[...] * m)
    o_ref[...] = (
        jnp.dot(p, w_ref[...], preferred_element_type=jnp.float32) + b_ref[...]
    )


def _stage3(aggc, degp, W2, b2, a):
    B = 2000
    a_row = jnp.full((1, D_HID), a, jnp.float32)
    return pl.pallas_call(
        _fin_body,
        grid=(N // B,),
        in_specs=[
            pl.BlockSpec((B, 2 * D_HID), lambda i: (i, 0)),
            pl.BlockSpec((B, 8 * DEG_W), lambda i: (i, 0)),
            pl.BlockSpec((D_HID, D_HID), lambda i: (0, 0)),
            pl.BlockSpec((1, D_HID), lambda i: (0, 0)),
            pl.BlockSpec((1, D_HID), lambda i: (0, 0)),
        ],
        out_specs=pl.BlockSpec((B, D_HID), lambda i: (i, 0)),
        out_shape=jax.ShapeDtypeStruct((N, D_HID), jnp.float32),
    )(aggc, degp, W2, b2.reshape(1, D_HID), a_row)


def kernel(x, edge_index, W1, b1, W2, b2, a):
    edges3 = edge_index.reshape(2, EROWS, CHUNK)
    degp = _sc_deg(edges3)
    h = _stage1(x, W1, b1)
    h, degp = lax.optimization_barrier((h, degp))
    aggc = _sc_agg(h, edges3)
    return _stage3(aggc, degp, W2, b2, a)

# --- scband reference (transcript-rebuilt; emitter-appended) ---
"""Pipeline reference for scband-gae-8126078124215 (READ-ONLY COPY).

The authoritative reference and input builder live on the scoring server;
editing this copy changes nothing except your own understanding.
"""

import jax, jax.numpy as jnp
import numpy as np

N = 10000
E = 320000
D_IN = 128
D_HID = 64


def _prelu(x, a):
    return jnp.where(x >= 0, x, a * x)


def _conv(x, edge_index, W1, b1, W2, b2, a):
    # conv(in_ch, hid_ch, out_ch): linear -> mean neighbor aggregation -> PReLU -> linear
    h = x @ W1 + b1
    src = edge_index[0]
    dst = edge_index[1]
    msgs = h[src]  # gather over edges (memory bound)
    agg = jax.ops.segment_sum(msgs, dst, num_segments=N)
    deg = jax.ops.segment_sum(jnp.ones((msgs.shape[0],), dtype=h.dtype), dst, num_segments=N)
    agg = agg / jnp.clip(deg, 1.0, None)[:, None]
    h = _prelu(agg, a)
    return h @ W2 + b2


def setup_inputs(seed: int = 0) -> dict:
    key = jax.random.key(seed)
    ks = jax.random.split(key, 6)
    x = jax.random.normal(ks[0], (N, D_IN), dtype=jnp.float32)
    edge_index = jax.random.randint(ks[1], (2, E), 0, N, dtype=jnp.int32)
    W1 = jax.random.normal(ks[2], (D_IN, D_HID), dtype=jnp.float32) * (1.0 / np.sqrt(D_IN))
    b1 = jnp.zeros((D_HID,), dtype=jnp.float32)
    W2 = jax.random.normal(ks[3], (D_HID, D_HID), dtype=jnp.float32) * (1.0 / np.sqrt(D_HID))
    b2 = jnp.zeros((D_HID,), dtype=jnp.float32)
    a = jnp.asarray(0.25, dtype=jnp.float32)  # PReLU slope
    return {"x": x, "edge_index": edge_index, "W1": W1, "b1": b1, "W2": W2, "b2": b2, "a": a}


def reference(x, edge_index, W1, b1, W2, b2, a):
    # GAE.encoder: z = self.E(x, edge_index)
    z = _conv(x, edge_index, W1, b1, W2, b2, a)
    return z

if __name__ == "__main__":
    import jax
    _d = setup_inputs()
    print(jax.jit(kernel)(*tuple(_d.values())))

</pallas_src>

<mosaic_0001>
#map = affine_map<(d0, d1) -> (0, 0, 0)>
#map1 = affine_map<(d0, d1) -> (0, 0)>
module attributes {stable_mosaic.version = 14 : i64} {
  func.func @_sc_deg_body(%arg0: i32, %arg1: i32, %arg2: memref<2x2500x128xi32, #tpu.memory_space<hbm>>, %arg3: memref<10000x16xf32, #tpu.memory_space<hbm>>, %arg4: memref<128x16xf32, #tpu.memory_space<hbm>>, %arg5: memref<10000x128xf32, #tpu.memory_space<hbm>>, %arg6: memref<10000x16xf32, #tpu.memory_space<vmem_shared>>, %arg7: memref<79x128xi32, #tpu.memory_space<vmem>>, %arg8: memref<128x16xf32, #tpu.memory_space<vmem>>, %arg9: memref<!tpu.dma_semaphore, #tpu.memory_space<semaphore_mem>>, %arg10: memref<!tpu.dma_semaphore, #tpu.memory_space<semaphore_mem>>) attributes {dimension_semantics = [#tpu.dimension_semantics<core_parallel>, #tpu.dimension_semantics<subcore_parallel>], iteration_bounds = array<i64: 2, 16>, scalar_prefetch = 0 : i64, scratch_operands = 5 : i64, tpu.core_type = #tpu.core_type<sc_vector_subcore>, window_params = [{transform_indices = #map}, {transform_indices = #map1}, {transform_indices = #map1}, {transform_indices = #map1}]} {
    %mul3A = arith.constant 2 : i32
    %mul3A_0 = arith.muli %arg1, %mul3A : i32
    %add3A = arith.addi %mul3A_0, %arg0 : i32
    %mul3A_1 = arith.constant 624 : i32
    %mul3A_2 = arith.muli %arg1, %mul3A_1 : i32
    "tpu.region"() ({
      %run_scoped3A_37 = tpu.sem_alloc : memref<!tpu.dma_semaphore, #tpu.memory_space<semaphore_mem>>
      %dma_start3A_38 = arith.constant 0 : i32
      %dma_start3A_39 = tpu.memref_slice %arg6[%mul3A_2, %dma_start3A_38] : memref<10000x16xf32, #tpu.memory_space<vmem_shared>> -> memref<624x16xf32, #tpu.memory_space<vmem_shared>>
      %dma_start3A_40 = arith.constant 0 : i32
      %dma_start3A_41 = tpu.memref_slice %arg3[%mul3A_2, %dma_start3A_40] : memref<10000x16xf32, #tpu.memory_space<hbm>> -> memref<624x16xf32, #tpu.memory_space<hbm>>
      tpu.enqueue_dma source(%dma_start3A_41 : memref<624x16xf32, #tpu.memory_space<hbm>>) target(%dma_start3A_39 : memref<624x16xf32, #tpu.memory_space<vmem_shared>>) target_semaphore(%run_scoped3A_37 : memref<!tpu.dma_semaphore, #tpu.memory_space<semaphore_mem>>)
      %dma_wait3A = arith.constant 0 : i32
      %dma_wait3A_42 = tpu.memref_slice %arg6[%mul3A_2, %dma_wait3A] : memref<10000x16xf32, #tpu.memory_space<vmem_shared>> -> memref<624x16xf32, #tpu.memory_space<vmem_shared>>
      %dma_wait3A_43 = arith.constant 0 : i32
      %dma_wait3A_44 = tpu.memref_slice %arg3[%mul3A_2, %dma_wait3A_43] : memref<10000x16xf32, #tpu.memory_space<hbm>> -> memref<624x16xf32, #tpu.memory_space<hbm>>
      tpu.wait_dma2 semaphore(%run_scoped3A_37 : memref<!tpu.dma_semaphore, #tpu.memory_space<semaphore_mem>>) src(%dma_wait3A_44 : memref<624x16xf32, #tpu.memory_space<hbm>>) dst(%dma_wait3A_42 : memref<624x16xf32, #tpu.memory_space<vmem_shared>>)
      tpu.yield
    }) : () -> ()
    %eq3A = arith.constant 15 : i32
    %eq3A_3 = arith.cmpi eq, %arg1, %eq3A : i32
    %convert_element_type3A = arith.extui %eq3A_3 : i1 to i32
    %cond3A = arith.constant 0 : i32
    %cond3A_4 = arith.cmpi ne, %convert_element_type3A, %cond3A : i32
    scf.if %cond3A_4 {
      "tpu.region"() ({
        %run_scoped3A_37 = tpu.sem_alloc : memref<!tpu.dma_semaphore, #tpu.memory_space<semaphore_mem>>
        %dma_start3A_38 = arith.constant 9984 : i32
        %dma_start3A_39 = arith.constant 0 : i32
        %dma_start3A_40 = tpu.memref_slice %arg6[%dma_start3A_38, %dma_start3A_39] : memref<10000x16xf32, #tpu.memory_space<vmem_shared>> -> memref<16x16xf32, #tpu.memory_space<vmem_shared>>
        %dma_start3A_41 = arith.constant 9984 : i32
        %dma_start3A_42 = arith.constant 0 : i32
        %dma_start3A_43 = tpu.memref_slice %arg3[%dma_start3A_41, %dma_start3A_42] : memref<10000x16xf32, #tpu.memory_space<hbm>> -> memref<16x16xf32, #tpu.memory_space<hbm>>
        tpu.enqueue_dma source(%dma_start3A_43 : memref<16x16xf32, #tpu.memory_space<hbm>>) target(%dma_start3A_40 : memref<16x16xf32, #tpu.memory_space<vmem_shared>>) target_semaphore(%run_scoped3A_37 : memref<!tpu.dma_semaphore, #tpu.memory_space<semaphore_mem>>)
        %dma_wait3A = arith.constant 9984 : i32
        %dma_wait3A_44 = arith.constant 0 : i32
        %dma_wait3A_45 = tpu.memref_slice %arg6[%dma_wait3A, %dma_wait3A_44] : memref<10000x16xf32, #tpu.memory_space<vmem_shared>> -> memref<16x16xf32, #tpu.memory_space<vmem_shared>>
        %dma_wait3A_46 = arith.constant 9984 : i32
        %dma_wait3A_47 = arith.constant 0 : i32
        %dma_wait3A_48 = tpu.memref_slice %arg3[%dma_wait3A_46, %dma_wait3A_47] : memref<10000x16xf32, #tpu.memory_space<hbm>> -> memref<16x16xf32, #tpu.memory_space<hbm>>
        tpu.wait_dma2 semaphore(%run_scoped3A_37 : memref<!tpu.dma_semaphore, #tpu.memory_space<semaphore_mem>>) src(%dma_wait3A_48 : memref<16x16xf32, #tpu.memory_space<hbm>>) dst(%dma_wait3A_45 : memref<16x16xf32, #tpu.memory_space<vmem_shared>>)
        tpu.yield
      }) : () -> ()
    } else {
    }
    %mul3A_5 = arith.constant 78 : i32
    %mul3A_6 = arith.muli %mul3A_5, %add3A : i32
    %min3A = arith.constant 4 : i32
    %min3A_7 = arith.minsi %add3A, %min3A : i32
    %add3A_8 = arith.addi %mul3A_6, %min3A_7 : i32
    %run_scoped3A = arith.constant 1 : i32
    "tpu.region"() ({
      %run_scoped3A_37 = tpu.sem_alloc : memref<!tpu.dma_semaphore, #tpu.memory_space<semaphore_mem>>
      %dma_start3A_38 = arith.constant 0 : i32
      %dma_start3A_39 = arith.constant 0 : i32
      %dma_start3A_40 = tpu.memref_slice %arg7[%dma_start3A_38, %dma_start3A_39] : memref<79x128xi32, #tpu.memory_space<vmem>> -> memref<78x128xi32, #tpu.memory_space<vmem>>
      %dma_start3A_41 = arith.constant 0 : i32
      %dma_start3A_42 = tpu.memref_slice %arg2[%run_scoped3A, %add3A_8, %dma_start3A_41] : memref<2x2500x128xi32, #tpu.memory_space<hbm>> -> memref<1x78x128xi32, #tpu.memory_space<hbm>>
      %dma_start3A_43 = tpu.memref_squeeze %dma_start3A_42 : memref<1x78x128xi32, #tpu.memory_space<hbm>> -> memref<78x128xi32, #tpu.memory_space<hbm>>
      %dma_start3A_44 = arith.constant 0 : i32
      %dma_start3A_45 = arith.constant 0 : i32
      %dma_start3A_46 = tpu.memref_slice %arg7[%dma_start3A_44, %dma_start3A_45] : memref<79x128xi32, #tpu.memory_space<vmem>> -> memref<78x128xi32, #tpu.memory_space<vmem>>
      %dma_start3A_47 = arith.constant 0 : i32
      %dma_start3A_48 = tpu.memref_slice %arg2[%run_scoped3A, %add3A_8, %dma_start3A_47] : memref<2x2500x128xi32, #tpu.memory_space<hbm>> -> memref<1x78x128xi32, #tpu.memory_space<hbm>>
      %dma_start3A_49 = tpu.memref_squeeze %dma_start3A_48 : memref<1x78x128xi32, #tpu.memory_space<hbm>> -> memref<78x128xi32, #tpu.memory_space<hbm>>
      tpu.enqueue_dma source(%dma_start3A_49 : memref<78x128xi32, #tpu.memory_space<hbm>>) target(%dma_start3A_46 : memref<78x128xi32, #tpu.memory_space<vmem>>) target_semaphore(%run_scoped3A_37 : memref<!tpu.dma_semaphore, #tpu.memory_space<semaphore_mem>>)
      %dma_wait3A = arith.constant 0 : i32
      %dma_wait3A_50 = arith.constant 0 : i32
      %dma_wait3A_51 = tpu.memref_slice %arg7[%dma_wait3A, %dma_wait3A_50] : memref<79x128xi32, #tpu.memory_space<vmem>> -> memref<78x128xi32, #tpu.memory_space<vmem>>
      %dma_wait3A_52 = arith.constant 0 : i32
      %dma_wait3A_53 = tpu.memref_slice %arg2[%run_scoped3A, %add3A_8, %dma_wait3A_52] : memref<2x2500x128xi32, #tpu.memory_space<hbm>> -> memref<1x78x128xi32, #tpu.memory_space<hbm>>
      %dma_wait3A_54 = tpu.memref_squeeze %dma_wait3A_53 : memref<1x78x128xi32, #tpu.memory_space<hbm>> -> memref<78x128xi32, #tpu.memory_space<hbm>>
      %dma_wait3A_55 = arith.constant 0 : i32
      %dma_wait3A_56 = arith.constant 0 : i32
      %dma_wait3A_57 = tpu.memref_slice %arg7[%dma_wait3A_55, %dma_wait3A_56] : memref<79x128xi32, #tpu.memory_space<vmem>> -> memref<78x128xi32, #tpu.memory_space<vmem>>
      %dma_wait3A_58 = arith.constant 0 : i32
      %dma_wait3A_59 = tpu.memref_slice %arg2[%run_scoped3A, %add3A_8, %dma_wait3A_58] : memref<2x2500x128xi32, #tpu.memory_space<hbm>> -> memref<1x78x128xi32, #tpu.memory_space<hbm>>
      %dma_wait3A_60 = tpu.memref_squeeze %dma_wait3A_59 : memref<1x78x128xi32, #tpu.memory_space<hbm>> -> memref<78x128xi32, #tpu.memory_space<hbm>>
      tpu.wait_dma2 semaphore(%run_scoped3A_37 : memref<!tpu.dma_semaphore, #tpu.memory_space<semaphore_mem>>) src(%dma_wait3A_60 : memref<78x128xi32, #tpu.memory_space<hbm>>) dst(%dma_wait3A_57 : memref<78x128xi32, #tpu.memory_space<vmem>>)
      tpu.yield
    }) : () -> ()
    %lt3A = arith.constant 4 : i32
    %lt3A_9 = arith.cmpi slt, %add3A, %lt3A : i32
    %convert_element_type3A_10 = arith.extui %lt3A_9 : i1 to i32
    %cond3A_11 = arith.constant 0 : i32
    %cond3A_12 = arith.cmpi ne, %convert_element_type3A_10, %cond3A_11 : i32
    scf.if %cond3A_12 {
      %add3A_37 = arith.constant 78 : i32
      %add3A_38 = arith.addi %add3A_8, %add3A_37 : i32
      %run_scoped3A_39 = arith.constant 1 : i32
      "tpu.region"() ({
        %run_scoped3A_40 = tpu.sem_alloc : memref<!tpu.dma_semaphore, #tpu.memory_space<semaphore_mem>>
        %dma_start3A_41 = arith.constant 78 : i32
        %dma_start3A_42 = arith.constant 0 : i32
        %dma_start3A_43 = tpu.memref_slice %arg7[%dma_start3A_41, %dma_start3A_42] : memref<79x128xi32, #tpu.memory_space<vmem>> -> memref<1x128xi32, #tpu.memory_space<vmem>>
        %dma_start3A_44 = arith.constant 0 : i32
        %dma_start3A_45 = tpu.memref_slice %arg2[%run_scoped3A_39, %add3A_38, %dma_start3A_44] : memref<2x2500x128xi32, #tpu.memory_space<hbm>> -> memref<1x1x128xi32, #tpu.memory_space<hbm>>
        %dma_start3A_46 = tpu.memref_squeeze %dma_start3A_45 : memref<1x1x128xi32, #tpu.memory_space<hbm>> -> memref<1x128xi32, #tpu.memory_space<hbm>>
        %dma_start3A_47 = arith.constant 78 : i32
        %dma_start3A_48 = arith.constant 0 : i32
        %dma_start3A_49 = tpu.memref_slice %arg7[%dma_start3A_47, %dma_start3A_48] : memref<79x128xi32, #tpu.memory_space<vmem>> -> memref<1x128xi32, #tpu.memory_space<vmem>>
        %dma_start3A_50 = arith.constant 0 : i32
        %dma_start3A_51 = tpu.memref_slice %arg2[%run_scoped3A_39, %add3A_38, %dma_start3A_50] : memref<2x2500x128xi32, #tpu.memory_space<hbm>> -> memref<1x1x128xi32, #tpu.memory_space<hbm>>
        %dma_start3A_52 = tpu.memref_squeeze %dma_start3A_51 : memref<1x1x128xi32, #tpu.memory_space<hbm>> -> memref<1x128xi32, #tpu.memory_space<hbm>>
        tpu.enqueue_dma source(%dma_start3A_52 : memref<1x128xi32, #tpu.memory_space<hbm>>) target(%dma_start3A_49 : memref<1x128xi32, #tpu.memory_space<vmem>>) target_semaphore(%run_scoped3A_40 : memref<!tpu.dma_semaphore, #tpu.memory_space<semaphore_mem>>)
        %dma_wait3A = arith.constant 78 : i32
        %dma_wait3A_53 = arith.constant 0 : i32
        %dma_wait3A_54 = tpu.memref_slice %arg7[%dma_wait3A, %dma_wait3A_53] : memref<79x128xi32, #tpu.memory_space<vmem>> -> memref<1x128xi32, #tpu.memory_space<vmem>>
        %dma_wait3A_55 = arith.constant 0 : i32
        %dma_wait3A_56 = tpu.memref_slice %arg2[%run_scoped3A_39, %add3A_38, %dma_wait3A_55] : memref<2x2500x128xi32, #tpu.memory_space<hbm>> -> memref<1x1x128xi32, #tpu.memory_space<hbm>>
        %dma_wait3A_57 = tpu.memref_squeeze %dma_wait3A_56 : memref<1x1x128xi32, #tpu.memory_space<hbm>> -> memref<1x128xi32, #tpu.memory_space<hbm>>
        %dma_wait3A_58 = arith.constant 78 : i32
        %dma_wait3A_59 = arith.constant 0 : i32
        %dma_wait3A_60 = tpu.memref_slice %arg7[%dma_wait3A_58, %dma_wait3A_59] : memref<79x128xi32, #tpu.memory_space<vmem>> -> memref<1x128xi32, #tpu.memory_space<vmem>>
        %dma_wait3A_61 = arith.constant 0 : i32
        %dma_wait3A_62 = tpu.memref_slice %arg2[%run_scoped3A_39, %add3A_38, %dma_wait3A_61] : memref<2x2500x128xi32, #tpu.memory_space<hbm>> -> memref<1x1x128xi32, #tpu.memory_space<hbm>>
        %dma_wait3A_63 = tpu.memref_squeeze %dma_wait3A_62 : memref<1x1x128xi32, #tpu.memory_space<hbm>> -> memref<1x128xi32, #tpu.memory_space<hbm>>
        tpu.wait_dma2 semaphore(%run_scoped3A_40 : memref<!tpu.dma_semaphore, #tpu.memory_space<semaphore_mem>>) src(%dma_wait3A_63 : memref<1x128xi32, #tpu.memory_space<hbm>>) dst(%dma_wait3A_60 : memref<1x128xi32, #tpu.memory_space<vmem>>)
        tpu.yield
      }) : () -> ()
    } else {
    }
    "tpu.region"() ({
      %run_scoped3A_37 = tpu.sem_alloc : memref<!tpu.dma_semaphore, #tpu.memory_space<semaphore_mem>>
      tpu.enqueue_dma source(%arg4 : memref<128x16xf32, #tpu.memory_space<hbm>>) target(%arg8 : memref<128x16xf32, #tpu.memory_space<vmem>>) target_semaphore(%run_scoped3A_37 : memref<!tpu.dma_semaphore, #tpu.memory_space<semaphore_mem>>)
      tpu.wait_dma2 semaphore(%run_scoped3A_37 : memref<!tpu.dma_semaphore, #tpu.memory_space<semaphore_mem>>) src(%arg4 : memref<128x16xf32, #tpu.memory_space<hbm>>) dst(%arg8 : memref<128x16xf32, #tpu.memory_space<vmem>>)
      tpu.yield
    }) : () -> ()
    %barrier3A = arith.constant 0 : index
    tpu.barrier barrier_id(%barrier3A)
    %dma_start3A = arith.constant 0 : i32
    %dma_start3A_13 = arith.constant 0 : i32
    %dma_start3A_14 = tpu.memref_slice %arg7[%dma_start3A, %dma_start3A_13] : memref<79x128xi32, #tpu.memory_space<vmem>> -> memref<1x128xi32, #tpu.memory_space<vmem>>
    %dma_start3A_15 = tpu.memref_squeeze %dma_start3A_14 : memref<1x128xi32, #tpu.memory_space<vmem>> -> memref<128xi32, #tpu.memory_space<vmem>>
    %dma_start3A_16 = arith.constant 0 : i32
    %dma_start3A_17 = arith.constant 0 : i32
    %dma_start3A_18 = tpu.memref_slice %arg6[%dma_start3A_16, %dma_start3A_17] : memref<10000x16xf32, #tpu.memory_space<vmem_shared>> -> memref<10000x16xf32, #tpu.memory_space<vmem_shared>>
    tpu.enqueue_indirect_dma source(%arg8 : memref<128x16xf32, #tpu.memory_space<vmem>>) target(%dma_start3A_18 : memref<10000x16xf32, #tpu.memory_space<vmem_shared>>) offsets(%dma_start3A_15 : memref<128xi32, #tpu.memory_space<vmem>>) semaphore(%arg9 : memref<!tpu.dma_semaphore, #tpu.memory_space<semaphore_mem>>) {add = true}
    %scan3A = arith.constant 0 : i32
    %scan3A_19 = arith.constant 0 : i32
    %scan3A_20 = arith.constant 39 : i32
    %scan3A_21 = arith.addi %scan3A_19, %scan3A_20 : i32
    %scan3A_22 = arith.constant 1 : i32
    scf.for %scan3A_37 = %scan3A_19 to %scan3A_21 step %scan3A_22  : i32 {
      %mul3A_38 = arith.constant 2 : i32
      %mul3A_39 = arith.muli %mul3A_38, %scan3A_37 : i32
      %add3A_40 = arith.constant 1 : i32
      %add3A_41 = arith.addi %mul3A_39, %add3A_40 : i32
      %dma_start3A_42 = arith.constant 0 : i32
      %dma_start3A_43 = tpu.memref_slice %arg7[%add3A_41, %dma_start3A_42] : memref<79x128xi32, #tpu.memory_space<vmem>> -> memref<1x128xi32, #tpu.memory_space<vmem>>
      %dma_start3A_44 = tpu.memref_squeeze %dma_start3A_43 : memref<1x128xi32, #tpu.memory_space<vmem>> -> memref<128xi32, #tpu.memory_space<vmem>>
      %dma_start3A_45 = arith.constant 0 : i32
      %dma_start3A_46 = arith.constant 0 : i32
      %dma_start3A_47 = tpu.memref_slice %arg6[%dma_start3A_45, %dma_start3A_46] : memref<10000x16xf32, #tpu.memory_space<vmem_shared>> -> memref<10000x16xf32, #tpu.memory_space<vmem_shared>>
      tpu.enqueue_indirect_dma source(%arg8 : memref<128x16xf32, #tpu.memory_space<vmem>>) target(%dma_start3A_47 : memref<10000x16xf32, #tpu.memory_space<vmem_shared>>) offsets(%dma_start3A_44 : memref<128xi32, #tpu.memory_space<vmem>>) semaphore(%arg10 : memref<!tpu.dma_semaphore, #tpu.memory_space<semaphore_mem>>) {add = true}
      %dma_wait3A = arith.constant 0 : i32
      %dma_wait3A_48 = tpu.memref_slice %arg7[%mul3A_39, %dma_wait3A] : memref<79x128xi32, #tpu.memory_space<vmem>> -> memref<1x128xi32, #tpu.memory_space<vmem>>
      %dma_wait3A_49 = tpu.memref_squeeze %dma_wait3A_48 : memref<1x128xi32, #tpu.memory_space<vmem>> -> memref<128xi32, #tpu.memory_space<vmem>>
      %dma_wait3A_50 = arith.constant 0 : i32
      %dma_wait3A_51 = arith.constant 0 : i32
      %dma_wait3A_52 = tpu.memref_slice %arg6[%dma_wait3A_50, %dma_wait3A_51] : memref<10000x16xf32, #tpu.memory_space<vmem_shared>> -> memref<10000x16xf32, #tpu.memory_space<vmem_shared>>
      tpu.wait_indirect_dma semaphore(%arg9 : memref<!tpu.dma_semaphore, #tpu.memory_space<semaphore_mem>>) src(%arg8 : memref<128x16xf32, #tpu.memory_space<vmem>>) dst(%dma_wait3A_52 : memref<10000x16xf32, #tpu.memory_space<vmem_shared>>)
      %add3A_53 = arith.constant 1 : i32
      %add3A_54 = arith.addi %scan3A_37, %add3A_53 : i32
      %lt3A_55 = arith.constant 39 : i32
      %lt3A_56 = arith.cmpi slt, %add3A_54, %lt3A_55 : i32
      %convert_element_type3A_57 = arith.extui %lt3A_56 : i1 to i32
      %cond3A_58 = arith.constant 0 : i32
      %cond3A_59 = arith.cmpi ne, %convert_element_type3A_57, %cond3A_58 : i32
      scf.if %cond3A_59 {
        %add3A_68 = arith.constant 2 : i32
        %add3A_69 = arith.addi %mul3A_39, %add3A_68 : i32
        %dma_start3A_70 = arith.constant 0 : i32
        %dma_start3A_71 = tpu.memref_slice %arg7[%add3A_69, %dma_start3A_70] : memref<79x128xi32, #tpu.memory_space<vmem>> -> memref<1x128xi32, #tpu.memory_space<vmem>>
        %dma_start3A_72 = tpu.memref_squeeze %dma_start3A_71 : memref<1x128xi32, #tpu.memory_space<vmem>> -> memref<128xi32, #tpu.memory_space<vmem>>
        %dma_start3A_73 = arith.constant 0 : i32
        %dma_start3A_74 = arith.constant 0 : i32
        %dma_start3A_75 = tpu.memref_slice %arg6[%dma_start3A_73, %dma_start3A_74] : memref<10000x16xf32, #tpu.memory_space<vmem_shared>> -> memref<10000x16xf32, #tpu.memory_space<vmem_shared>>
        tpu.enqueue_indirect_dma source(%arg8 : memref<128x16xf32, #tpu.memory_space<vmem>>) target(%dma_start3A_75 : memref<10000x16xf32, #tpu.memory_space<vmem_shared>>) offsets(%dma_start3A_72 : memref<128xi32, #tpu.memory_space<vmem>>) semaphore(%arg9 : memref<!tpu.dma_semaphore, #tpu.memory_space<semaphore_mem>>) {add = true}
      } else {
      }
      %add3A_60 = arith.constant 1 : i32
      %add3A_61 = arith.addi %mul3A_39, %add3A_60 : i32
      %dma_wait3A_62 = arith.constant 0 : i32
      %dma_wait3A_63 = tpu.memref_slice %arg7[%add3A_61, %dma_wait3A_62] : memref<79x128xi32, #tpu.memory_space<vmem>> -> memref<1x128xi32, #tpu.memory_space<vmem>>
      %dma_wait3A_64 = tpu.memref_squeeze %dma_wait3A_63 : memref<1x128xi32, #tpu.memory_space<vmem>> -> memref<128xi32, #tpu.memory_space<vmem>>
      %dma_wait3A_65 = arith.constant 0 : i32
      %dma_wait3A_66 = arith.constant 0 : i32
      %dma_wait3A_67 = tpu.memref_slice %arg6[%dma_wait3A_65, %dma_wait3A_66] : memref<10000x16xf32, #tpu.memory_space<vmem_shared>> -> memref<10000x16xf32, #tpu.memory_space<vmem_shared>>
      tpu.wait_indirect_dma semaphore(%arg10 : memref<!tpu.dma_semaphore, #tpu.memory_space<semaphore_mem>>) src(%arg8 : memref<128x16xf32, #tpu.memory_space<vmem>>) dst(%dma_wait3A_67 : memref<10000x16xf32, #tpu.memory_space<vmem_shared>>)
    }
    %scan3A_23 = arith.constant 39 : i32
    %lt3A_24 = arith.constant 4 : i32
    %lt3A_25 = arith.cmpi slt, %add3A, %lt3A_24 : i32
    %convert_element_type3A_26 = arith.extui %lt3A_25 : i1 to i32
    %cond3A_27 = arith.constant 0 : i32
    %cond3A_28 = arith.cmpi ne, %convert_element_type3A_26, %cond3A_27 : i32
    scf.if %cond3A_28 {
      %dma_start3A_37 = arith.constant 78 : i32
      %dma_start3A_38 = arith.constant 0 : i32
      %dma_start3A_39 = tpu.memref_slice %arg7[%dma_start3A_37, %dma_start3A_38] : memref<79x128xi32, #tpu.memory_space<vmem>> -> memref<1x128xi32, #tpu.memory_space<vmem>>
      %dma_start3A_40 = tpu.memref_squeeze %dma_start3A_39 : memref<1x128xi32, #tpu.memory_space<vmem>> -> memref<128xi32, #tpu.memory_space<vmem>>
      %dma_start3A_41 = arith.constant 0 : i32
      %dma_start3A_42 = arith.constant 0 : i32
      %dma_start3A_43 = tpu.memref_slice %arg6[%dma_start3A_41, %dma_start3A_42] : memref<10000x16xf32, #tpu.memory_space<vmem_shared>> -> memref<10000x16xf32, #tpu.memory_space<vmem_shared>>
      tpu.enqueue_indirect_dma source(%arg8 : memref<128x16xf32, #tpu.memory_space<vmem>>) target(%dma_start3A_43 : memref<10000x16xf32, #tpu.memory_space<vmem_shared>>) offsets(%dma_start3A_40 : memref<128xi32, #tpu.memory_space<vmem>>) semaphore(%arg9 : memref<!tpu.dma_semaphore, #tpu.memory_space<semaphore_mem>>) {add = true}
      %dma_wait3A = arith.constant 78 : i32
      %dma_wait3A_44 = arith.constant 0 : i32
      %dma_wait3A_45 = tpu.memref_slice %arg7[%dma_wait3A, %dma_wait3A_44] : memref<79x128xi32, #tpu.memory_space<vmem>> -> memref<1x128xi32, #tpu.memory_space<vmem>>
      %dma_wait3A_46 = tpu.memref_squeeze %dma_wait3A_45 : memref<1x128xi32, #tpu.memory_space<vmem>> -> memref<128xi32, #tpu.memory_space<vmem>>
      %dma_wait3A_47 = arith.constant 0 : i32
      %dma_wait3A_48 = arith.constant 0 : i32
      %dma_wait3A_49 = tpu.memref_slice %arg6[%dma_wait3A_47, %dma_wait3A_48] : memref<10000x16xf32, #tpu.memory_space<vmem_shared>> -> memref<10000x16xf32, #tpu.memory_space<vmem_shared>>
      tpu.wait_indirect_dma semaphore(%arg9 : memref<!tpu.dma_semaphore, #tpu.memory_space<semaphore_mem>>) src(%arg8 : memref<128x16xf32, #tpu.memory_space<vmem>>) dst(%dma_wait3A_49 : memref<10000x16xf32, #tpu.memory_space<vmem_shared>>)
    } else {
    }
    %barrier3A_29 = arith.constant 0 : index
    tpu.barrier barrier_id(%barrier3A_29)
    %mul3A_30 = arith.constant 16 : i32
    %mul3A_31 = arith.muli %arg0, %mul3A_30 : i32
    "tpu.region"() ({
      %run_scoped3A_37 = tpu.sem_alloc : memref<!tpu.dma_semaphore, #tpu.memory_space<semaphore_mem>>
      %dma_start3A_38 = tpu.memref_slice %arg5[%mul3A_2, %mul3A_31] : memref<10000x128xf32, #tpu.memory_space<hbm>> -> memref<624x16xf32, #tpu.memory_space<hbm>>
      %dma_start3A_39 = arith.constant 0 : i32
      %dma_start3A_40 = tpu.memref_slice %arg6[%mul3A_2, %dma_start3A_39] : memref<10000x16xf32, #tpu.memory_space<vmem_shared>> -> memref<624x16xf32, #tpu.memory_space<vmem_shared>>
      tpu.enqueue_dma source(%dma_start3A_40 : memref<624x16xf32, #tpu.memory_space<vmem_shared>>) target(%dma_start3A_38 : memref<624x16xf32, #tpu.memory_space<hbm>>) target_semaphore(%run_scoped3A_37 : memref<!tpu.dma_semaphore, #tpu.memory_space<semaphore_mem>>)
      %dma_wait3A = tpu.memref_slice %arg5[%mul3A_2, %mul3A_31] : memref<10000x128xf32, #tpu.memory_space<hbm>> -> memref<624x16xf32, #tpu.memory_space<hbm>>
      %dma_wait3A_41 = arith.constant 0 : i32
      %dma_wait3A_42 = tpu.memref_slice %arg6[%mul3A_2, %dma_wait3A_41] : memref<10000x16xf32, #tpu.memory_space<vmem_shared>> -> memref<624x16xf32, #tpu.memory_space<vmem_shared>>
      tpu.wait_dma2 semaphore(%run_scoped3A_37 : memref<!tpu.dma_semaphore, #tpu.memory_space<semaphore_mem>>) src(%dma_wait3A_42 : memref<624x16xf32, #tpu.memory_space<vmem_shared>>) dst(%dma_wait3A : memref<624x16xf32, #tpu.memory_space<hbm>>)
      tpu.yield
    }) : () -> ()
    %eq3A_32 = arith.constant 15 : i32
    %eq3A_33 = arith.cmpi eq, %arg1, %eq3A_32 : i32
    %convert_element_type3A_34 = arith.extui %eq3A_33 : i1 to i32
    %cond3A_35 = arith.constant 0 : i32
    %cond3A_36 = arith.cmpi ne, %convert_element_type3A_34, %cond3A_35 : i32
    scf.if %cond3A_36 {
      %mul3A_37 = arith.constant 16 : i32
      %mul3A_38 = arith.muli %arg0, %mul3A_37 : i32
      "tpu.region"() ({
        %run_scoped3A_39 = tpu.sem_alloc : memref<!tpu.dma_semaphore, #tpu.memory_space<semaphore_mem>>
        %dma_start3A_40 = arith.constant 9984 : i32
        %dma_start3A_41 = tpu.memref_slice %arg5[%dma_start3A_40, %mul3A_38] : memref<10000x128xf32, #tpu.memory_space<hbm>> -> memref<16x16xf32, #tpu.memory_space<hbm>>
        %dma_start3A_42 = arith.constant 9984 : i32
        %dma_start3A_43 = arith.constant 0 : i32
        %dma_start3A_44 = tpu.memref_slice %arg6[%dma_start3A_42, %dma_start3A_43] : memref<10000x16xf32, #tpu.memory_space<vmem_shared>> -> memref<16x16xf32, #tpu.memory_space<vmem_shared>>
        tpu.enqueue_dma source(%dma_start3A_44 : memref<16x16xf32, #tpu.memory_space<vmem_shared>>) target(%dma_start3A_41 : memref<16x16xf32, #tpu.memory_space<hbm>>) target_semaphore(%run_scoped3A_39 : memref<!tpu.dma_semaphore, #tpu.memory_space<semaphore_mem>>)
        %dma_wait3A = arith.constant 9984 : i32
        %dma_wait3A_45 = tpu.memref_slice %arg5[%dma_wait3A, %mul3A_38] : memref<10000x128xf32, #tpu.memory_space<hbm>> -> memref<16x16xf32, #tpu.memory_space<hbm>>
        %dma_wait3A_46 = arith.constant 9984 : i32
        %dma_wait3A_47 = arith.constant 0 : i32
        %dma_wait3A_48 = tpu.memref_slice %arg6[%dma_wait3A_46, %dma_wait3A_47] : memref<10000x16xf32, #tpu.memory_space<vmem_shared>> -> memref<16x16xf32, #tpu.memory_space<vmem_shared>>
        tpu.wait_dma2 semaphore(%run_scoped3A_39 : memref<!tpu.dma_semaphore, #tpu.memory_space<semaphore_mem>>) src(%dma_wait3A_48 : memref<16x16xf32, #tpu.memory_space<vmem_shared>>) dst(%dma_wait3A_45 : memref<16x16xf32, #tpu.memory_space<hbm>>)
        tpu.yield
      }) : () -> ()
    } else {
    }
    return
  }
}

#map = affine_map<(d0, d1) -> (0, 0)>
#map1 = affine_map<(d0, d1) -> (0, 0, 0)>
module attributes {stable_mosaic.version = 14 : i64} {
  func.func @_sc_agg_body(%arg0: i32, %arg1: i32, %arg2: memref<10000x64xf32, #tpu.memory_space<hbm>>, %arg3: memref<2x2500x128xi32, #tpu.memory_space<hbm>>, %arg4: memref<10000x64xf32, #tpu.memory_space<hbm>>, %arg5: memref<10000x128xf32, #tpu.memory_space<hbm>>, %arg6: memref<10000x64xf32, #tpu.memory_space<vmem_shared>>, %arg7: memref<79x128xi32, #tpu.memory_space<vmem>>, %arg8: memref<79x128xi32, #tpu.memory_space<vmem>>, %arg9: memref<128x64xf32, #tpu.memory_space<vmem>>, %arg10: memref<128x64xf32, #tpu.memory_space<vmem>>, %arg11: memref<128x64xf32, #tpu.memory_space<vmem>>, %arg12: memref<!tpu.dma_semaphore, #tpu.memory_space<semaphore_mem>>, %arg13: memref<!tpu.dma_semaphore, #tpu.memory_space<semaphore_mem>>, %arg14: memref<!tpu.dma_semaphore, #tpu.memory_space<semaphore_mem>>, %arg15: memref<!tpu.dma_semaphore, #tpu.memory_space<semaphore_mem>>, %arg16: memref<!tpu.dma_semaphore, #tpu.memory_space<semaphore_mem>>, %arg17: memref<!tpu.dma_semaphore, #tpu.memory_space<semaphore_mem>>) attributes {dimension_semantics = [#tpu.dimension_semantics<core_parallel>, #tpu.dimension_semantics<subcore_parallel>], iteration_bounds = array<i64: 2, 16>, scalar_prefetch = 0 : i64, scratch_operands = 12 : i64, tpu.core_type = #tpu.core_type<sc_vector_subcore>, window_params = [{transform_indices = #map}, {transform_indices = #map1}, {transform_indices = #map}, {transform_indices = #map}]} {
    %mul3A = arith.constant 2 : i32
    %mul3A_0 = arith.muli %arg1, %mul3A : i32
    %add3A = arith.addi %mul3A_0, %arg0 : i32
    %mul3A_1 = arith.constant 624 : i32
    %mul3A_2 = arith.muli %arg1, %mul3A_1 : i32
    "tpu.region"() ({
      %run_scoped3A_51 = tpu.sem_alloc : memref<!tpu.dma_semaphore, #tpu.memory_space<semaphore_mem>>
      %dma_start3A_52 = arith.constant 0 : i32
      %dma_start3A_53 = tpu.memref_slice %arg6[%mul3A_2, %dma_start3A_52] : memref<10000x64xf32, #tpu.memory_space<vmem_shared>> -> memref<624x64xf32, #tpu.memory_space<vmem_shared>>
      %dma_start3A_54 = arith.constant 0 : i32
      %dma_start3A_55 = tpu.memref_slice %arg4[%mul3A_2, %dma_start3A_54] : memref<10000x64xf32, #tpu.memory_space<hbm>> -> memref<624x64xf32, #tpu.memory_space<hbm>>
      tpu.enqueue_dma source(%dma_start3A_55 : memref<624x64xf32, #tpu.memory_space<hbm>>) target(%dma_start3A_53 : memref<624x64xf32, #tpu.memory_space<vmem_shared>>) target_semaphore(%run_scoped3A_51 : memref<!tpu.dma_semaphore, #tpu.memory_space<semaphore_mem>>)
      %dma_wait3A_56 = arith.constant 0 : i32
      %dma_wait3A_57 = tpu.memref_slice %arg6[%mul3A_2, %dma_wait3A_56] : memref<10000x64xf32, #tpu.memory_space<vmem_shared>> -> memref<624x64xf32, #tpu.memory_space<vmem_shared>>
      %dma_wait3A_58 = arith.constant 0 : i32
      %dma_wait3A_59 = tpu.memref_slice %arg4[%mul3A_2, %dma_wait3A_58] : memref<10000x64xf32, #tpu.memory_space<hbm>> -> memref<624x64xf32, #tpu.memory_space<hbm>>
      tpu.wait_dma2 semaphore(%run_scoped3A_51 : memref<!tpu.dma_semaphore, #tpu.memory_space<semaphore_mem>>) src(%dma_wait3A_59 : memref<624x64xf32, #tpu.memory_space<hbm>>) dst(%dma_wait3A_57 : memref<624x64xf32, #tpu.memory_space<vmem_shared>>)
      tpu.yield
    }) : () -> ()
    %eq3A = arith.constant 15 : i32
    %eq3A_3 = arith.cmpi eq, %arg1, %eq3A : i32
    %convert_element_type3A = arith.extui %eq3A_3 : i1 to i32
    %cond3A = arith.constant 0 : i32
    %cond3A_4 = arith.cmpi ne, %convert_element_type3A, %cond3A : i32
    scf.if %cond3A_4 {
      "tpu.region"() ({
        %run_scoped3A_51 = tpu.sem_alloc : memref<!tpu.dma_semaphore, #tpu.memory_space<semaphore_mem>>
        %dma_start3A_52 = arith.constant 9984 : i32
        %dma_start3A_53 = arith.constant 0 : i32
        %dma_start3A_54 = tpu.memref_slice %arg6[%dma_start3A_52, %dma_start3A_53] : memref<10000x64xf32, #tpu.memory_space<vmem_shared>> -> memref<16x64xf32, #tpu.memory_space<vmem_shared>>
        %dma_start3A_55 = arith.constant 9984 : i32
        %dma_start3A_56 = arith.constant 0 : i32
        %dma_start3A_57 = tpu.memref_slice %arg4[%dma_start3A_55, %dma_start3A_56] : memref<10000x64xf32, #tpu.memory_space<hbm>> -> memref<16x64xf32, #tpu.memory_space<hbm>>
        tpu.enqueue_dma source(%dma_start3A_57 : memref<16x64xf32, #tpu.memory_space<hbm>>) target(%dma_start3A_54 : memref<16x64xf32, #tpu.memory_space<vmem_shared>>) target_semaphore(%run_scoped3A_51 : memref<!tpu.dma_semaphore, #tpu.memory_space<semaphore_mem>>)
        %dma_wait3A_58 = arith.constant 9984 : i32
        %dma_wait3A_59 = arith.constant 0 : i32
        %dma_wait3A_60 = tpu.memref_slice %arg6[%dma_wait3A_58, %dma_wait3A_59] : memref<10000x64xf32, #tpu.memory_space<vmem_shared>> -> memref<16x64xf32, #tpu.memory_space<vmem_shared>>
        %dma_wait3A_61 = arith.constant 9984 : i32
        %dma_wait3A_62 = arith.constant 0 : i32
        %dma_wait3A_63 = tpu.memref_slice %arg4[%dma_wait3A_61, %dma_wait3A_62] : memref<10000x64xf32, #tpu.memory_space<hbm>> -> memref<16x64xf32, #tpu.memory_space<hbm>>
        tpu.wait_dma2 semaphore(%run_scoped3A_51 : memref<!tpu.dma_semaphore, #tpu.memory_space<semaphore_mem>>) src(%dma_wait3A_63 : memref<16x64xf32, #tpu.memory_space<hbm>>) dst(%dma_wait3A_60 : memref<16x64xf32, #tpu.memory_space<vmem_shared>>)
        tpu.yield
      }) : () -> ()
    } else {
    }
    %mul3A_5 = arith.constant 78 : i32
    %mul3A_6 = arith.muli %mul3A_5, %add3A : i32
    %min3A = arith.constant 4 : i32
    %min3A_7 = arith.minsi %add3A, %min3A : i32
    %add3A_8 = arith.addi %mul3A_6, %min3A_7 : i32
    %run_scoped3A = arith.constant 0 : i32
    "tpu.region"() ({
      %run_scoped3A_51 = tpu.sem_alloc : memref<!tpu.dma_semaphore, #tpu.memory_space<semaphore_mem>>
      %dma_start3A_52 = arith.constant 0 : i32
      %dma_start3A_53 = arith.constant 0 : i32
      %dma_start3A_54 = tpu.memref_slice %arg7[%dma_start3A_52, %dma_start3A_53] : memref<79x128xi32, #tpu.memory_space<vmem>> -> memref<78x128xi32, #tpu.memory_space<vmem>>
      %dma_start3A_55 = arith.constant 0 : i32
      %dma_start3A_56 = tpu.memref_slice %arg3[%run_scoped3A, %add3A_8, %dma_start3A_55] : memref<2x2500x128xi32, #tpu.memory_space<hbm>> -> memref<1x78x128xi32, #tpu.memory_space<hbm>>
      %dma_start3A_57 = tpu.memref_squeeze %dma_start3A_56 : memref<1x78x128xi32, #tpu.memory_space<hbm>> -> memref<78x128xi32, #tpu.memory_space<hbm>>
      %dma_start3A_58 = arith.constant 0 : i32
      %dma_start3A_59 = arith.constant 0 : i32
      %dma_start3A_60 = tpu.memref_slice %arg7[%dma_start3A_58, %dma_start3A_59] : memref<79x128xi32, #tpu.memory_space<vmem>> -> memref<78x128xi32, #tpu.memory_space<vmem>>
      %dma_start3A_61 = arith.constant 0 : i32
      %dma_start3A_62 = tpu.memref_slice %arg3[%run_scoped3A, %add3A_8, %dma_start3A_61] : memref<2x2500x128xi32, #tpu.memory_space<hbm>> -> memref<1x78x128xi32, #tpu.memory_space<hbm>>
      %dma_start3A_63 = tpu.memref_squeeze %dma_start3A_62 : memref<1x78x128xi32, #tpu.memory_space<hbm>> -> memref<78x128xi32, #tpu.memory_space<hbm>>
      tpu.enqueue_dma source(%dma_start3A_63 : memref<78x128xi32, #tpu.memory_space<hbm>>) target(%dma_start3A_60 : memref<78x128xi32, #tpu.memory_space<vmem>>) target_semaphore(%run_scoped3A_51 : memref<!tpu.dma_semaphore, #tpu.memory_space<semaphore_mem>>)
      %dma_wait3A_64 = arith.constant 0 : i32
      %dma_wait3A_65 = arith.constant 0 : i32
      %dma_wait3A_66 = tpu.memref_slice %arg7[%dma_wait3A_64, %dma_wait3A_65] : memref<79x128xi32, #tpu.memory_space<vmem>> -> memref<78x128xi32, #tpu.memory_space<vmem>>
      %dma_wait3A_67 = arith.constant 0 : i32
      %dma_wait3A_68 = tpu.memref_slice %arg3[%run_scoped3A, %add3A_8, %dma_wait3A_67] : memref<2x2500x128xi32, #tpu.memory_space<hbm>> -> memref<1x78x128xi32, #tpu.memory_space<hbm>>
      %dma_wait3A_69 = tpu.memref_squeeze %dma_wait3A_68 : memref<1x78x128xi32, #tpu.memory_space<hbm>> -> memref<78x128xi32, #tpu.memory_space<hbm>>
      %dma_wait3A_70 = arith.constant 0 : i32
      %dma_wait3A_71 = arith.constant 0 : i32
      %dma_wait3A_72 = tpu.memref_slice %arg7[%dma_wait3A_70, %dma_wait3A_71] : memref<79x128xi32, #tpu.memory_space<vmem>> -> memref<78x128xi32, #tpu.memory_space<vmem>>
      %dma_wait3A_73 = arith.constant 0 : i32
      %dma_wait3A_74 = tpu.memref_slice %arg3[%run_scoped3A, %add3A_8, %dma_wait3A_73] : memref<2x2500x128xi32, #tpu.memory_space<hbm>> -> memref<1x78x128xi32, #tpu.memory_space<hbm>>
      %dma_wait3A_75 = tpu.memref_squeeze %dma_wait3A_74 : memref<1x78x128xi32, #tpu.memory_space<hbm>> -> memref<78x128xi32, #tpu.memory_space<hbm>>
      tpu.wait_dma2 semaphore(%run_scoped3A_51 : memref<!tpu.dma_semaphore, #tpu.memory_space<semaphore_mem>>) src(%dma_wait3A_75 : memref<78x128xi32, #tpu.memory_space<hbm>>) dst(%dma_wait3A_72 : memref<78x128xi32, #tpu.memory_space<vmem>>)
      tpu.yield
    }) : () -> ()
    %run_scoped3A_9 = arith.constant 1 : i32
    "tpu.region"() ({
      %run_scoped3A_51 = tpu.sem_alloc : memref<!tpu.dma_semaphore, #tpu.memory_space<semaphore_mem>>
      %dma_start3A_52 = arith.constant 0 : i32
      %dma_start3A_53 = arith.constant 0 : i32
      %dma_start3A_54 = tpu.memref_slice %arg8[%dma_start3A_52, %dma_start3A_53] : memref<79x128xi32, #tpu.memory_space<vmem>> -> memref<78x128xi32, #tpu.memory_space<vmem>>
      %dma_start3A_55 = arith.constant 0 : i32
      %dma_start3A_56 = tpu.memref_slice %arg3[%run_scoped3A_9, %add3A_8, %dma_start3A_55] : memref<2x2500x128xi32, #tpu.memory_space<hbm>> -> memref<1x78x128xi32, #tpu.memory_space<hbm>>
      %dma_start3A_57 = tpu.memref_squeeze %dma_start3A_56 : memref<1x78x128xi32, #tpu.memory_space<hbm>> -> memref<78x128xi32, #tpu.memory_space<hbm>>
      %dma_start3A_58 = arith.constant 0 : i32
      %dma_start3A_59 = arith.constant 0 : i32
      %dma_start3A_60 = tpu.memref_slice %arg8[%dma_start3A_58, %dma_start3A_59] : memref<79x128xi32, #tpu.memory_space<vmem>> -> memref<78x128xi32, #tpu.memory_space<vmem>>
      %dma_start3A_61 = arith.constant 0 : i32
      %dma_start3A_62 = tpu.memref_slice %arg3[%run_scoped3A_9, %add3A_8, %dma_start3A_61] : memref<2x2500x128xi32, #tpu.memory_space<hbm>> -> memref<1x78x128xi32, #tpu.memory_space<hbm>>
      %dma_start3A_63 = tpu.memref_squeeze %dma_start3A_62 : memref<1x78x128xi32, #tpu.memory_space<hbm>> -> memref<78x128xi32, #tpu.memory_space<hbm>>
      tpu.enqueue_dma source(%dma_start3A_63 : memref<78x128xi32, #tpu.memory_space<hbm>>) target(%dma_start3A_60 : memref<78x128xi32, #tpu.memory_space<vmem>>) target_semaphore(%run_scoped3A_51 : memref<!tpu.dma_semaphore, #tpu.memory_space<semaphore_mem>>)
      %dma_wait3A_64 = arith.constant 0 : i32
      %dma_wait3A_65 = arith.constant 0 : i32
      %dma_wait3A_66 = tpu.memref_slice %arg8[%dma_wait3A_64, %dma_wait3A_65] : memref<79x128xi32, #tpu.memory_space<vmem>> -> memref<78x128xi32, #tpu.memory_space<vmem>>
      %dma_wait3A_67 = arith.constant 0 : i32
      %dma_wait3A_68 = tpu.memref_slice %arg3[%run_scoped3A_9, %add3A_8, %dma_wait3A_67] : memref<2x2500x128xi32, #tpu.memory_space<hbm>> -> memref<1x78x128xi32, #tpu.memory_space<hbm>>
      %dma_wait3A_69 = tpu.memref_squeeze %dma_wait3A_68 : memref<1x78x128xi32, #tpu.memory_space<hbm>> -> memref<78x128xi32, #tpu.memory_space<hbm>>
      %dma_wait3A_70 = arith.constant 0 : i32
      %dma_wait3A_71 = arith.constant 0 : i32
      %dma_wait3A_72 = tpu.memref_slice %arg8[%dma_wait3A_70, %dma_wait3A_71] : memref<79x128xi32, #tpu.memory_space<vmem>> -> memref<78x128xi32, #tpu.memory_space<vmem>>
      %dma_wait3A_73 = arith.constant 0 : i32
      %dma_wait3A_74 = tpu.memref_slice %arg3[%run_scoped3A_9, %add3A_8, %dma_wait3A_73] : memref<2x2500x128xi32, #tpu.memory_space<hbm>> -> memref<1x78x128xi32, #tpu.memory_space<hbm>>
      %dma_wait3A_75 = tpu.memref_squeeze %dma_wait3A_74 : memref<1x78x128xi32, #tpu.memory_space<hbm>> -> memref<78x128xi32, #tpu.memory_space<hbm>>
      tpu.wait_dma2 semaphore(%run_scoped3A_51 : memref<!tpu.dma_semaphore, #tpu.memory_space<semaphore_mem>>) src(%dma_wait3A_75 : memref<78x128xi32, #tpu.memory_space<hbm>>) dst(%dma_wait3A_72 : memref<78x128xi32, #tpu.memory_space<vmem>>)
      tpu.yield
    }) : () -> ()
    %lt3A = arith.constant 4 : i32
    %lt3A_10 = arith.cmpi slt, %add3A, %lt3A : i32
    %convert_element_type3A_11 = arith.extui %lt3A_10 : i1 to i32
    %cond3A_12 = arith.constant 0 : i32
    %cond3A_13 = arith.cmpi ne, %convert_element_type3A_11, %cond3A_12 : i32
    scf.if %cond3A_13 {
      %add3A_51 = arith.constant 78 : i32
      %add3A_52 = arith.addi %add3A_8, %add3A_51 : i32
      %run_scoped3A_53 = arith.constant 0 : i32
      "tpu.region"() ({
        %run_scoped3A_57 = tpu.sem_alloc : memref<!tpu.dma_semaphore, #tpu.memory_space<semaphore_mem>>
        %dma_start3A_58 = arith.constant 78 : i32
        %dma_start3A_59 = arith.constant 0 : i32
        %dma_start3A_60 = tpu.memref_slice %arg7[%dma_start3A_58, %dma_start3A_59] : memref<79x128xi32, #tpu.memory_space<vmem>> -> memref<1x128xi32, #tpu.memory_space<vmem>>
        %dma_start3A_61 = arith.constant 0 : i32
        %dma_start3A_62 = tpu.memref_slice %arg3[%run_scoped3A_53, %add3A_52, %dma_start3A_61] : memref<2x2500x128xi32, #tpu.memory_space<hbm>> -> memref<1x1x128xi32, #tpu.memory_space<hbm>>
        %dma_start3A_63 = tpu.memref_squeeze %dma_start3A_62 : memref<1x1x128xi32, #tpu.memory_space<hbm>> -> memref<1x128xi32, #tpu.memory_space<hbm>>
        %dma_start3A_64 = arith.constant 78 : i32
        %dma_start3A_65 = arith.constant 0 : i32
        %dma_start3A_66 = tpu.memref_slice %arg7[%dma_start3A_64, %dma_start3A_65] : memref<79x128xi32, #tpu.memory_space<vmem>> -> memref<1x128xi32, #tpu.memory_space<vmem>>
        %dma_start3A_67 = arith.constant 0 : i32
        %dma_start3A_68 = tpu.memref_slice %arg3[%run_scoped3A_53, %add3A_52, %dma_start3A_67] : memref<2x2500x128xi32, #tpu.memory_space<hbm>> -> memref<1x1x128xi32, #tpu.memory_space<hbm>>
        %dma_start3A_69 = tpu.memref_squeeze %dma_start3A_68 : memref<1x1x128xi32, #tpu.memory_space<hbm>> -> memref<1x128xi32, #tpu.memory_space<hbm>>
        tpu.enqueue_dma source(%dma_start3A_69 : memref<1x128xi32, #tpu.memory_space<hbm>>) target(%dma_start3A_66 : memref<1x128xi32, #tpu.memory_space<vmem>>) target_semaphore(%run_scoped3A_57 : memref<!tpu.dma_semaphore, #tpu.memory_space<semaphore_mem>>)
        %dma_wait3A_70 = arith.constant 78 : i32
        %dma_wait3A_71 = arith.constant 0 : i32
        %dma_wait3A_72 = tpu.memref_slice %arg7[%dma_wait3A_70, %dma_wait3A_71] : memref<79x128xi32, #tpu.memory_space<vmem>> -> memref<1x128xi32, #tpu.memory_space<vmem>>
        %dma_wait3A_73 = arith.constant 0 : i32
        %dma_wait3A_74 = tpu.memref_slice %arg3[%run_scoped3A_53, %add3A_52, %dma_wait3A_73] : memref<2x2500x128xi32, #tpu.memory_space<hbm>> -> memref<1x1x128xi32, #tpu.memory_space<hbm>>
        %dma_wait3A_75 = tpu.memref_squeeze %dma_wait3A_74 : memref<1x1x128xi32, #tpu.memory_space<hbm>> -> memref<1x128xi32, #tpu.memory_space<hbm>>
        %dma_wait3A_76 = arith.constant 78 : i32
        %dma_wait3A_77 = arith.constant 0 : i32
        %dma_wait3A_78 = tpu.memref_slice %arg7[%dma_wait3A_76, %dma_wait3A_77] : memref<79x128xi32, #tpu.memory_space<vmem>> -> memref<1x128xi32, #tpu.memory_space<vmem>>
        %dma_wait3A_79 = arith.constant 0 : i32
        %dma_wait3A_80 = tpu.memref_slice %arg3[%run_scoped3A_53, %add3A_52, %dma_wait3A_79] : memref<2x2500x128xi32, #tpu.memory_space<hbm>> -> memref<1x1x128xi32, #tpu.memory_space<hbm>>
        %dma_wait3A_81 = tpu.memref_squeeze %dma_wait3A_80 : memref<1x1x128xi32, #tpu.memory_space<hbm>> -> memref<1x128xi32, #tpu.memory_space<hbm>>
        tpu.wait_dma2 semaphore(%run_scoped3A_57 : memref<!tpu.dma_semaphore, #tpu.memory_space<semaphore_mem>>) src(%dma_wait3A_81 : memref<1x128xi32, #tpu.memory_space<hbm>>) dst(%dma_wait3A_78 : memref<1x128xi32, #tpu.memory_space<vmem>>)
        tpu.yield
      }) : () -> ()
      %add3A_54 = arith.constant 78 : i32
      %add3A_55 = arith.addi %add3A_8, %add3A_54 : i32
      %run_scoped3A_56 = arith.constant 1 : i32
      "tpu.region"() ({
        %run_scoped3A_57 = tpu.sem_alloc : memref<!tpu.dma_semaphore, #tpu.memory_space<semaphore_mem>>
        %dma_start3A_58 = arith.constant 78 : i32
        %dma_start3A_59 = arith.constant 0 : i32
        %dma_start3A_60 = tpu.memref_slice %arg8[%dma_start3A_58, %dma_start3A_59] : memref<79x128xi32, #tpu.memory_space<vmem>> -> memref<1x128xi32, #tpu.memory_space<vmem>>
        %dma_start3A_61 = arith.constant 0 : i32
        %dma_start3A_62 = tpu.memref_slice %arg3[%run_scoped3A_56, %add3A_55, %dma_start3A_61] : memref<2x2500x128xi32, #tpu.memory_space<hbm>> -> memref<1x1x128xi32, #tpu.memory_space<hbm>>
        %dma_start3A_63 = tpu.memref_squeeze %dma_start3A_62 : memref<1x1x128xi32, #tpu.memory_space<hbm>> -> memref<1x128xi32, #tpu.memory_space<hbm>>
        %dma_start3A_64 = arith.constant 78 : i32
        %dma_start3A_65 = arith.constant 0 : i32
        %dma_start3A_66 = tpu.memref_slice %arg8[%dma_start3A_64, %dma_start3A_65] : memref<79x128xi32, #tpu.memory_space<vmem>> -> memref<1x128xi32, #tpu.memory_space<vmem>>
        %dma_start3A_67 = arith.constant 0 : i32
        %dma_start3A_68 = tpu.memref_slice %arg3[%run_scoped3A_56, %add3A_55, %dma_start3A_67] : memref<2x2500x128xi32, #tpu.memory_space<hbm>> -> memref<1x1x128xi32, #tpu.memory_space<hbm>>
        %dma_start3A_69 = tpu.memref_squeeze %dma_start3A_68 : memref<1x1x128xi32, #tpu.memory_space<hbm>> -> memref<1x128xi32, #tpu.memory_space<hbm>>
        tpu.enqueue_dma source(%dma_start3A_69 : memref<1x128xi32, #tpu.memory_space<hbm>>) target(%dma_start3A_66 : memref<1x128xi32, #tpu.memory_space<vmem>>) target_semaphore(%run_scoped3A_57 : memref<!tpu.dma_semaphore, #tpu.memory_space<semaphore_mem>>)
        %dma_wait3A_70 = arith.constant 78 : i32
        %dma_wait3A_71 = arith.constant 0 : i32
        %dma_wait3A_72 = tpu.memref_slice %arg8[%dma_wait3A_70, %dma_wait3A_71] : memref<79x128xi32, #tpu.memory_space<vmem>> -> memref<1x128xi32, #tpu.memory_space<vmem>>
        %dma_wait3A_73 = arith.constant 0 : i32
        %dma_wait3A_74 = tpu.memref_slice %arg3[%run_scoped3A_56, %add3A_55, %dma_wait3A_73] : memref<2x2500x128xi32, #tpu.memory_space<hbm>> -> memref<1x1x128xi32, #tpu.memory_space<hbm>>
        %dma_wait3A_75 = tpu.memref_squeeze %dma_wait3A_74 : memref<1x1x128xi32, #tpu.memory_space<hbm>> -> memref<1x128xi32, #tpu.memory_space<hbm>>
        %dma_wait3A_76 = arith.constant 78 : i32
        %dma_wait3A_77 = arith.constant 0 : i32
        %dma_wait3A_78 = tpu.memref_slice %arg8[%dma_wait3A_76, %dma_wait3A_77] : memref<79x128xi32, #tpu.memory_space<vmem>> -> memref<1x128xi32, #tpu.memory_space<vmem>>
        %dma_wait3A_79 = arith.constant 0 : i32
        %dma_wait3A_80 = tpu.memref_slice %arg3[%run_scoped3A_56, %add3A_55, %dma_wait3A_79] : memref<2x2500x128xi32, #tpu.memory_space<hbm>> -> memref<1x1x128xi32, #tpu.memory_space<hbm>>
        %dma_wait3A_81 = tpu.memref_squeeze %dma_wait3A_80 : memref<1x1x128xi32, #tpu.memory_space<hbm>> -> memref<1x128xi32, #tpu.memory_space<hbm>>
        tpu.wait_dma2 semaphore(%run_scoped3A_57 : memref<!tpu.dma_semaphore, #tpu.memory_space<semaphore_mem>>) src(%dma_wait3A_81 : memref<1x128xi32, #tpu.memory_space<hbm>>) dst(%dma_wait3A_78 : memref<1x128xi32, #tpu.memory_space<vmem>>)
        tpu.yield
      }) : () -> ()
    } else {
    }
    %barrier3A = arith.constant 0 : index
    tpu.barrier barrier_id(%barrier3A)
    %dma_start3A = arith.constant 0 : i32
    %dma_start3A_14 = arith.constant 0 : i32
    %dma_start3A_15 = tpu.memref_slice %arg7[%dma_start3A, %dma_start3A_14] : memref<79x128xi32, #tpu.memory_space<vmem>> -> memref<1x128xi32, #tpu.memory_space<vmem>>
    %dma_start3A_16 = tpu.memref_squeeze %dma_start3A_15 : memref<1x128xi32, #tpu.memory_space<vmem>> -> memref<128xi32, #tpu.memory_space<vmem>>
    %dma_start3A_17 = arith.constant 0 : i32
    %dma_start3A_18 = arith.constant 0 : i32
    %dma_start3A_19 = tpu.memref_slice %arg2[%dma_start3A_17, %dma_start3A_18] : memref<10000x64xf32, #tpu.memory_space<hbm>> -> memref<10000x64xf32, #tpu.memory_space<hbm>>
    tpu.enqueue_indirect_dma source(%dma_start3A_19 : memref<10000x64xf32, #tpu.memory_space<hbm>>) target(%arg9 : memref<128x64xf32, #tpu.memory_space<vmem>>) offsets(%dma_start3A_16 : memref<128xi32, #tpu.memory_space<vmem>>) semaphore(%arg12 : memref<!tpu.dma_semaphore, #tpu.memory_space<semaphore_mem>>)
    %scan3A = arith.constant 0 : i32
    %scan3A_20 = arith.constant 0 : i32
    %scan3A_21 = arith.constant 26 : i32
    %scan3A_22 = arith.addi %scan3A_20, %scan3A_21 : i32
    %scan3A_23 = arith.constant 1 : i32
    scf.for %scan3A_51 = %scan3A_20 to %scan3A_22 step %scan3A_23  : i32 {
      %mul3A_52 = arith.constant 3 : i32
      %mul3A_53 = arith.muli %mul3A_52, %scan3A_51 : i32
      %gt3A = arith.constant 0 : i32
      %gt3A_54 = arith.cmpi sgt, %scan3A_51, %gt3A : i32
      %convert_element_type3A_55 = arith.extui %gt3A_54 : i1 to i32
      %cond3A_56 = arith.constant 0 : i32
      %cond3A_57 = arith.cmpi ne, %convert_element_type3A_55, %cond3A_56 : i32
      scf.if %cond3A_57 {
        %sub3A = arith.constant 2 : i32
        %sub3A_136 = arith.subi %mul3A_53, %sub3A : i32
        %dma_wait3A_137 = arith.constant 0 : i32
        %dma_wait3A_138 = tpu.memref_slice %arg8[%sub3A_136, %dma_wait3A_137] : memref<79x128xi32, #tpu.memory_space<vmem>> -> memref<1x128xi32, #tpu.memory_space<vmem>>
        %dma_wait3A_139 = tpu.memref_squeeze %dma_wait3A_138 : memref<1x128xi32, #tpu.memory_space<vmem>> -> memref<128xi32, #tpu.memory_space<vmem>>
        %dma_wait3A_140 = arith.constant 0 : i32
        %dma_wait3A_141 = arith.constant 0 : i32
        %dma_wait3A_142 = tpu.memref_slice %arg6[%dma_wait3A_140, %dma_wait3A_141] : memref<10000x64xf32, #tpu.memory_space<vmem_shared>> -> memref<10000x64xf32, #tpu.memory_space<vmem_shared>>
        tpu.wait_indirect_dma semaphore(%arg16 : memref<!tpu.dma_semaphore, #tpu.memory_space<semaphore_mem>>) src(%arg10 : memref<128x64xf32, #tpu.memory_space<vmem>>) dst(%dma_wait3A_142 : memref<10000x64xf32, #tpu.memory_space<vmem_shared>>)
      } else {
      }
      %add3A_58 = arith.constant 1 : i32
      %add3A_59 = arith.addi %mul3A_53, %add3A_58 : i32
      %dma_start3A_60 = arith.constant 0 : i32
      %dma_start3A_61 = tpu.memref_slice %arg7[%add3A_59, %dma_start3A_60] : memref<79x128xi32, #tpu.memory_space<vmem>> -> memref<1x128xi32, #tpu.memory_space<vmem>>
      %dma_start3A_62 = tpu.memref_squeeze %dma_start3A_61 : memref<1x128xi32, #tpu.memory_space<vmem>> -> memref<128xi32, #tpu.memory_space<vmem>>
      %dma_start3A_63 = arith.constant 0 : i32
      %dma_start3A_64 = arith.constant 0 : i32
      %dma_start3A_65 = tpu.memref_slice %arg2[%dma_start3A_63, %dma_start3A_64] : memref<10000x64xf32, #tpu.memory_space<hbm>> -> memref<10000x64xf32, #tpu.memory_space<hbm>>
      tpu.enqueue_indirect_dma source(%dma_start3A_65 : memref<10000x64xf32, #tpu.memory_space<hbm>>) target(%arg10 : memref<128x64xf32, #tpu.memory_space<vmem>>) offsets(%dma_start3A_62 : memref<128xi32, #tpu.memory_space<vmem>>) semaphore(%arg13 : memref<!tpu.dma_semaphore, #tpu.memory_space<semaphore_mem>>)
      %dma_wait3A_66 = arith.constant 0 : i32
      %dma_wait3A_67 = tpu.memref_slice %arg7[%mul3A_53, %dma_wait3A_66] : memref<79x128xi32, #tpu.memory_space<vmem>> -> memref<1x128xi32, #tpu.memory_space<vmem>>
      %dma_wait3A_68 = tpu.memref_squeeze %dma_wait3A_67 : memref<1x128xi32, #tpu.memory_space<vmem>> -> memref<128xi32, #tpu.memory_space<vmem>>
      %dma_wait3A_69 = arith.constant 0 : i32
      %dma_wait3A_70 = arith.constant 0 : i32
      %dma_wait3A_71 = tpu.memref_slice %arg2[%dma_wait3A_69, %dma_wait3A_70] : memref<10000x64xf32, #tpu.memory_space<hbm>> -> memref<10000x64xf32, #tpu.memory_space<hbm>>
      tpu.wait_indirect_dma semaphore(%arg12 : memref<!tpu.dma_semaphore, #tpu.memory_space<semaphore_mem>>) src(%dma_wait3A_71 : memref<10000x64xf32, #tpu.memory_space<hbm>>) dst(%arg9 : memref<128x64xf32, #tpu.memory_space<vmem>>)
      %dma_start3A_72 = arith.constant 0 : i32
      %dma_start3A_73 = tpu.memref_slice %arg8[%mul3A_53, %dma_start3A_72] : memref<79x128xi32, #tpu.memory_space<vmem>> -> memref<1x128xi32, #tpu.memory_space<vmem>>
      %dma_start3A_74 = tpu.memref_squeeze %dma_start3A_73 : memref<1x128xi32, #tpu.memory_space<vmem>> -> memref<128xi32, #tpu.memory_space<vmem>>
      %dma_start3A_75 = arith.constant 0 : i32
      %dma_start3A_76 = arith.constant 0 : i32
      %dma_start3A_77 = tpu.memref_slice %arg6[%dma_start3A_75, %dma_start3A_76] : memref<10000x64xf32, #tpu.memory_space<vmem_shared>> -> memref<10000x64xf32, #tpu.memory_space<vmem_shared>>
      tpu.enqueue_indirect_dma source(%arg9 : memref<128x64xf32, #tpu.memory_space<vmem>>) target(%dma_start3A_77 : memref<10000x64xf32, #tpu.memory_space<vmem_shared>>) offsets(%dma_start3A_74 : memref<128xi32, #tpu.memory_space<vmem>>) semaphore(%arg15 : memref<!tpu.dma_semaphore, #tpu.memory_space<semaphore_mem>>) {add = true}
      %gt3A_78 = arith.constant 0 : i32
      %gt3A_79 = arith.cmpi sgt, %scan3A_51, %gt3A_78 : i32
      %convert_element_type3A_80 = arith.extui %gt3A_79 : i1 to i32
      %cond3A_81 = arith.constant 0 : i32
      %cond3A_82 = arith.cmpi ne, %convert_element_type3A_80, %cond3A_81 : i32
      scf.if %cond3A_82 {
        %sub3A = arith.constant 1 : i32
        %sub3A_136 = arith.subi %mul3A_53, %sub3A : i32
        %dma_wait3A_137 = arith.constant 0 : i32
        %dma_wait3A_138 = tpu.memref_slice %arg8[%sub3A_136, %dma_wait3A_137] : memref<79x128xi32, #tpu.memory_space<vmem>> -> memref<1x128xi32, #tpu.memory_space<vmem>>
        %dma_wait3A_139 = tpu.memref_squeeze %dma_wait3A_138 : memref<1x128xi32, #tpu.memory_space<vmem>> -> memref<128xi32, #tpu.memory_space<vmem>>
        %dma_wait3A_140 = arith.constant 0 : i32
        %dma_wait3A_141 = arith.constant 0 : i32
        %dma_wait3A_142 = tpu.memref_slice %arg6[%dma_wait3A_140, %dma_wait3A_141] : memref<10000x64xf32, #tpu.memory_space<vmem_shared>> -> memref<10000x64xf32, #tpu.memory_space<vmem_shared>>
        tpu.wait_indirect_dma semaphore(%arg17 : memref<!tpu.dma_semaphore, #tpu.memory_space<semaphore_mem>>) src(%arg11 : memref<128x64xf32, #tpu.memory_space<vmem>>) dst(%dma_wait3A_142 : memref<10000x64xf32, #tpu.memory_space<vmem_shared>>)
      } else {
      }
      %add3A_83 = arith.constant 2 : i32
      %add3A_84 = arith.addi %mul3A_53, %add3A_83 : i32
      %dma_start3A_85 = arith.constant 0 : i32
      %dma_start3A_86 = tpu.memref_slice %arg7[%add3A_84, %dma_start3A_85] : memref<79x128xi32, #tpu.memory_space<vmem>> -> memref<1x128xi32, #tpu.memory_space<vmem>>
      %dma_start3A_87 = tpu.memref_squeeze %dma_start3A_86 : memref<1x128xi32, #tpu.memory_space<vmem>> -> memref<128xi32, #tpu.memory_space<vmem>>
      %dma_start3A_88 = arith.constant 0 : i32
      %dma_start3A_89 = arith.constant 0 : i32
      %dma_start3A_90 = tpu.memref_slice %arg2[%dma_start3A_88, %dma_start3A_89] : memref<10000x64xf32, #tpu.memory_space<hbm>> -> memref<10000x64xf32, #tpu.memory_space<hbm>>
      tpu.enqueue_indirect_dma source(%dma_start3A_90 : memref<10000x64xf32, #tpu.memory_space<hbm>>) target(%arg11 : memref<128x64xf32, #tpu.memory_space<vmem>>) offsets(%dma_start3A_87 : memref<128xi32, #tpu.memory_space<vmem>>) semaphore(%arg14 : memref<!tpu.dma_semaphore, #tpu.memory_space<semaphore_mem>>)
      %add3A_91 = arith.constant 1 : i32
      %add3A_92 = arith.addi %mul3A_53, %add3A_91 : i32
      %dma_wait3A_93 = arith.constant 0 : i32
      %dma_wait3A_94 = tpu.memref_slice %arg7[%add3A_92, %dma_wait3A_93] : memref<79x128xi32, #tpu.memory_space<vmem>> -> memref<1x128xi32, #tpu.memory_space<vmem>>
      %dma_wait3A_95 = tpu.memref_squeeze %dma_wait3A_94 : memref<1x128xi32, #tpu.memory_space<vmem>> -> memref<128xi32, #tpu.memory_space<vmem>>
      %dma_wait3A_96 = arith.constant 0 : i32
      %dma_wait3A_97 = arith.constant 0 : i32
      %dma_wait3A_98 = tpu.memref_slice %arg2[%dma_wait3A_96, %dma_wait3A_97] : memref<10000x64xf32, #tpu.memory_space<hbm>> -> memref<10000x64xf32, #tpu.memory_space<hbm>>
      tpu.wait_indirect_dma semaphore(%arg13 : memref<!tpu.dma_semaphore, #tpu.memory_space<semaphore_mem>>) src(%dma_wait3A_98 : memref<10000x64xf32, #tpu.memory_space<hbm>>) dst(%arg10 : memref<128x64xf32, #tpu.memory_space<vmem>>)
      %add3A_99 = arith.constant 1 : i32
      %add3A_100 = arith.addi %mul3A_53, %add3A_99 : i32
      %dma_start3A_101 = arith.constant 0 : i32
      %dma_start3A_102 = tpu.memref_slice %arg8[%add3A_100, %dma_start3A_101] : memref<79x128xi32, #tpu.memory_space<vmem>> -> memref<1x128xi32, #tpu.memory_space<vmem>>
      %dma_start3A_103 = tpu.memref_squeeze %dma_start3A_102 : memref<1x128xi32, #tpu.memory_space<vmem>> -> memref<128xi32, #tpu.memory_space<vmem>>
      %dma_start3A_104 = arith.constant 0 : i32
      %dma_start3A_105 = arith.constant 0 : i32
      %dma_start3A_106 = tpu.memref_slice %arg6[%dma_start3A_104, %dma_start3A_105] : memref<10000x64xf32, #tpu.memory_space<vmem_shared>> -> memref<10000x64xf32, #tpu.memory_space<vmem_shared>>
      tpu.enqueue_indirect_dma source(%arg10 : memref<128x64xf32, #tpu.memory_space<vmem>>) target(%dma_start3A_106 : memref<10000x64xf32, #tpu.memory_space<vmem_shared>>) offsets(%dma_start3A_103 : memref<128xi32, #tpu.memory_space<vmem>>) semaphore(%arg16 : memref<!tpu.dma_semaphore, #tpu.memory_space<semaphore_mem>>) {add = true}
      %dma_wait3A_107 = arith.constant 0 : i32
      %dma_wait3A_108 = tpu.memref_slice %arg8[%mul3A_53, %dma_wait3A_107] : memref<79x128xi32, #tpu.memory_space<vmem>> -> memref<1x128xi32, #tpu.memory_space<vmem>>
      %dma_wait3A_109 = tpu.memref_squeeze %dma_wait3A_108 : memref<1x128xi32, #tpu.memory_space<vmem>> -> memref<128xi32, #tpu.memory_space<vmem>>
      %dma_wait3A_110 = arith.constant 0 : i32
      %dma_wait3A_111 = arith.constant 0 : i32
      %dma_wait3A_112 = tpu.memref_slice %arg6[%dma_wait3A_110, %dma_wait3A_111] : memref<10000x64xf32, #tpu.memory_space<vmem_shared>> -> memref<10000x64xf32, #tpu.memory_space<vmem_shared>>
      tpu.wait_indirect_dma semaphore(%arg15 : memref<!tpu.dma_semaphore, #tpu.memory_space<semaphore_mem>>) src(%arg9 : memref<128x64xf32, #tpu.memory_space<vmem>>) dst(%dma_wait3A_112 : memref<10000x64xf32, #tpu.memory_space<vmem_shared>>)
      %add3A_113 = arith.constant 1 : i32
      %add3A_114 = arith.addi %scan3A_51, %add3A_113 : i32
      %lt3A_115 = arith.constant 26 : i32
      %lt3A_116 = arith.cmpi slt, %add3A_114, %lt3A_115 : i32
      %convert_element_type3A_117 = arith.extui %lt3A_116 : i1 to i32
      %cond3A_118 = arith.constant 0 : i32
      %cond3A_119 = arith.cmpi ne, %convert_element_type3A_117, %cond3A_118 : i32
      scf.if %cond3A_119 {
        %add3A_136 = arith.constant 3 : i32
        %add3A_137 = arith.addi %mul3A_53, %add3A_136 : i32
        %dma_start3A_138 = arith.constant 0 : i32
        %dma_start3A_139 = tpu.memref_slice %arg7[%add3A_137, %dma_start3A_138] : memref<79x128xi32, #tpu.memory_space<vmem>> -> memref<1x128xi32, #tpu.memory_space<vmem>>
        %dma_start3A_140 = tpu.memref_squeeze %dma_start3A_139 : memref<1x128xi32, #tpu.memory_space<vmem>> -> memref<128xi32, #tpu.memory_space<vmem>>
        %dma_start3A_141 = arith.constant 0 : i32
        %dma_start3A_142 = arith.constant 0 : i32
        %dma_start3A_143 = tpu.memref_slice %arg2[%dma_start3A_141, %dma_start3A_142] : memref<10000x64xf32, #tpu.memory_space<hbm>> -> memref<10000x64xf32, #tpu.memory_space<hbm>>
        tpu.enqueue_indirect_dma source(%dma_start3A_143 : memref<10000x64xf32, #tpu.memory_space<hbm>>) target(%arg9 : memref<128x64xf32, #tpu.memory_space<vmem>>) offsets(%dma_start3A_140 : memref<128xi32, #tpu.memory_space<vmem>>) semaphore(%arg12 : memref<!tpu.dma_semaphore, #tpu.memory_space<semaphore_mem>>)
      } else {
      }
      %add3A_120 = arith.constant 2 : i32
      %add3A_121 = arith.addi %mul3A_53, %add3A_120 : i32
      %dma_wait3A_122 = arith.constant 0 : i32
      %dma_wait3A_123 = tpu.memref_slice %arg7[%add3A_121, %dma_wait3A_122] : memref<79x128xi32, #tpu.memory_space<vmem>> -> memref<1x128xi32, #tpu.memory_space<vmem>>
      %dma_wait3A_124 = tpu.memref_squeeze %dma_wait3A_123 : memref<1x128xi32, #tpu.memory_space<vmem>> -> memref<128xi32, #tpu.memory_space<vmem>>
      %dma_wait3A_125 = arith.constant 0 : i32
      %dma_wait3A_126 = arith.constant 0 : i32
      %dma_wait3A_127 = tpu.memref_slice %arg2[%dma_wait3A_125, %dma_wait3A_126] : memref<10000x64xf32, #tpu.memory_space<hbm>> -> memref<10000x64xf32, #tpu.memory_space<hbm>>
      tpu.wait_indirect_dma semaphore(%arg14 : memref<!tpu.dma_semaphore, #tpu.memory_space<semaphore_mem>>) src(%dma_wait3A_127 : memref<10000x64xf32, #tpu.memory_space<hbm>>) dst(%arg11 : memref<128x64xf32, #tpu.memory_space<vmem>>)
      %add3A_128 = arith.constant 2 : i32
      %add3A_129 = arith.addi %mul3A_53, %add3A_128 : i32
      %dma_start3A_130 = arith.constant 0 : i32
      %dma_start3A_131 = tpu.memref_slice %arg8[%add3A_129, %dma_start3A_130] : memref<79x128xi32, #tpu.memory_space<vmem>> -> memref<1x128xi32, #tpu.memory_space<vmem>>
      %dma_start3A_132 = tpu.memref_squeeze %dma_start3A_131 : memref<1x128xi32, #tpu.memory_space<vmem>> -> memref<128xi32, #tpu.memory_space<vmem>>
      %dma_start3A_133 = arith.constant 0 : i32
      %dma_start3A_134 = arith.constant 0 : i32
      %dma_start3A_135 = tpu.memref_slice %arg6[%dma_start3A_133, %dma_start3A_134] : memref<10000x64xf32, #tpu.memory_space<vmem_shared>> -> memref<10000x64xf32, #tpu.memory_space<vmem_shared>>
      tpu.enqueue_indirect_dma source(%arg11 : memref<128x64xf32, #tpu.memory_space<vmem>>) target(%dma_start3A_135 : memref<10000x64xf32, #tpu.memory_space<vmem_shared>>) offsets(%dma_start3A_132 : memref<128xi32, #tpu.memory_space<vmem>>) semaphore(%arg17 : memref<!tpu.dma_semaphore, #tpu.memory_space<semaphore_mem>>) {add = true}
    }
    %scan3A_24 = arith.constant 26 : i32
    %dma_wait3A = arith.constant 76 : i32
    %dma_wait3A_25 = arith.constant 0 : i32
    %dma_wait3A_26 = tpu.memref_slice %arg8[%dma_wait3A, %dma_wait3A_25] : memref<79x128xi32, #tpu.memory_space<vmem>> -> memref<1x128xi32, #tpu.memory_space<vmem>>
    %dma_wait3A_27 = tpu.memref_squeeze %dma_wait3A_26 : memref<1x128xi32, #tpu.memory_space<vmem>> -> memref<128xi32, #tpu.memory_space<vmem>>
    %dma_wait3A_28 = arith.constant 0 : i32
    %dma_wait3A_29 = arith.constant 0 : i32
    %dma_wait3A_30 = tpu.memref_slice %arg6[%dma_wait3A_28, %dma_wait3A_29] : memref<10000x64xf32, #tpu.memory_space<vmem_shared>> -> memref<10000x64xf32, #tpu.memory_space<vmem_shared>>
    tpu.wait_indirect_dma semaphore(%arg16 : memref<!tpu.dma_semaphore, #tpu.memory_space<semaphore_mem>>) src(%arg10 : memref<128x64xf32, #tpu.memory_space<vmem>>) dst(%dma_wait3A_30 : memref<10000x64xf32, #tpu.memory_space<vmem_shared>>)
    %dma_wait3A_31 = arith.constant 77 : i32
    %dma_wait3A_32 = arith.constant 0 : i32
    %dma_wait3A_33 = tpu.memref_slice %arg8[%dma_wait3A_31, %dma_wait3A_32] : memref<79x128xi32, #tpu.memory_space<vmem>> -> memref<1x128xi32, #tpu.memory_space<vmem>>
    %dma_wait3A_34 = tpu.memref_squeeze %dma_wait3A_33 : memref<1x128xi32, #tpu.memory_space<vmem>> -> memref<128xi32, #tpu.memory_space<vmem>>
    %dma_wait3A_35 = arith.constant 0 : i32
    %dma_wait3A_36 = arith.constant 0 : i32
    %dma_wait3A_37 = tpu.memref_slice %arg6[%dma_wait3A_35, %dma_wait3A_36] : memref<10000x64xf32, #tpu.memory_space<vmem_shared>> -> memref<10000x64xf32, #tpu.memory_space<vmem_shared>>
    tpu.wait_indirect_dma semaphore(%arg17 : memref<!tpu.dma_semaphore, #tpu.memory_space<semaphore_mem>>) src(%arg11 : memref<128x64xf32, #tpu.memory_space<vmem>>) dst(%dma_wait3A_37 : memref<10000x64xf32, #tpu.memory_space<vmem_shared>>)
    %lt3A_38 = arith.constant 4 : i32
    %lt3A_39 = arith.cmpi slt, %add3A, %lt3A_38 : i32
    %convert_element_type3A_40 = arith.extui %lt3A_39 : i1 to i32
    %cond3A_41 = arith.constant 0 : i32
    %cond3A_42 = arith.cmpi ne, %convert_element_type3A_40, %cond3A_41 : i32
    scf.if %cond3A_42 {
      %dma_start3A_51 = arith.constant 78 : i32
      %dma_start3A_52 = arith.constant 0 : i32
      %dma_start3A_53 = tpu.memref_slice %arg7[%dma_start3A_51, %dma_start3A_52] : memref<79x128xi32, #tpu.memory_space<vmem>> -> memref<1x128xi32, #tpu.memory_space<vmem>>
      %dma_start3A_54 = tpu.memref_squeeze %dma_start3A_53 : memref<1x128xi32, #tpu.memory_space<vmem>> -> memref<128xi32, #tpu.memory_space<vmem>>
      %dma_start3A_55 = arith.constant 0 : i32
      %dma_start3A_56 = arith.constant 0 : i32
      %dma_start3A_57 = tpu.memref_slice %arg2[%dma_start3A_55, %dma_start3A_56] : memref<10000x64xf32, #tpu.memory_space<hbm>> -> memref<10000x64xf32, #tpu.memory_space<hbm>>
      tpu.enqueue_indirect_dma source(%dma_start3A_57 : memref<10000x64xf32, #tpu.memory_space<hbm>>) target(%arg9 : memref<128x64xf32, #tpu.memory_space<vmem>>) offsets(%dma_start3A_54 : memref<128xi32, #tpu.memory_space<vmem>>) semaphore(%arg12 : memref<!tpu.dma_semaphore, #tpu.memory_space<semaphore_mem>>)
      %dma_wait3A_58 = arith.constant 78 : i32
      %dma_wait3A_59 = arith.constant 0 : i32
      %dma_wait3A_60 = tpu.memref_slice %arg7[%dma_wait3A_58, %dma_wait3A_59] : memref<79x128xi32, #tpu.memory_space<vmem>> -> memref<1x128xi32, #tpu.memory_space<vmem>>
      %dma_wait3A_61 = tpu.memref_squeeze %dma_wait3A_60 : memref<1x128xi32, #tpu.memory_space<vmem>> -> memref<128xi32, #tpu.memory_space<vmem>>
      %dma_wait3A_62 = arith.constant 0 : i32
      %dma_wait3A_63 = arith.constant 0 : i32
      %dma_wait3A_64 = tpu.memref_slice %arg2[%dma_wait3A_62, %dma_wait3A_63] : memref<10000x64xf32, #tpu.memory_space<hbm>> -> memref<10000x64xf32, #tpu.memory_space<hbm>>
      tpu.wait_indirect_dma semaphore(%arg12 : memref<!tpu.dma_semaphore, #tpu.memory_space<semaphore_mem>>) src(%dma_wait3A_64 : memref<10000x64xf32, #tpu.memory_space<hbm>>) dst(%arg9 : memref<128x64xf32, #tpu.memory_space<vmem>>)
      %dma_start3A_65 = arith.constant 78 : i32
      %dma_start3A_66 = arith.constant 0 : i32
      %dma_start3A_67 = tpu.memref_slice %arg8[%dma_start3A_65, %dma_start3A_66] : memref<79x128xi32, #tpu.memory_space<vmem>> -> memref<1x128xi32, #tpu.memory_space<vmem>>
      %dma_start3A_68 = tpu.memref_squeeze %dma_start3A_67 : memref<1x128xi32, #tpu.memory_space<vmem>> -> memref<128xi32, #tpu.memory_space<vmem>>
      %dma_start3A_69 = arith.constant 0 : i32
      %dma_start3A_70 = arith.constant 0 : i32
      %dma_start3A_71 = tpu.memref_slice %arg6[%dma_start3A_69, %dma_start3A_70] : memref<10000x64xf32, #tpu.memory_space<vmem_shared>> -> memref<10000x64xf32, #tpu.memory_space<vmem_shared>>
      tpu.enqueue_indirect_dma source(%arg9 : memref<128x64xf32, #tpu.memory_space<vmem>>) target(%dma_start3A_71 : memref<10000x64xf32, #tpu.memory_space<vmem_shared>>) offsets(%dma_start3A_68 : memref<128xi32, #tpu.memory_space<vmem>>) semaphore(%arg15 : memref<!tpu.dma_semaphore, #tpu.memory_space<semaphore_mem>>) {add = true}
      %dma_wait3A_72 = arith.constant 78 : i32
      %dma_wait3A_73 = arith.constant 0 : i32
      %dma_wait3A_74 = tpu.memref_slice %arg8[%dma_wait3A_72, %dma_wait3A_73] : memref<79x128xi32, #tpu.memory_space<vmem>> -> memref<1x128xi32, #tpu.memory_space<vmem>>
      %dma_wait3A_75 = tpu.memref_squeeze %dma_wait3A_74 : memref<1x128xi32, #tpu.memory_space<vmem>> -> memref<128xi32, #tpu.memory_space<vmem>>
      %dma_wait3A_76 = arith.constant 0 : i32
      %dma_wait3A_77 = arith.constant 0 : i32
      %dma_wait3A_78 = tpu.memref_slice %arg6[%dma_wait3A_76, %dma_wait3A_77] : memref<10000x64xf32, #tpu.memory_space<vmem_shared>> -> memref<10000x64xf32, #tpu.memory_space<vmem_shared>>
      tpu.wait_indirect_dma semaphore(%arg15 : memref<!tpu.dma_semaphore, #tpu.memory_space<semaphore_mem>>) src(%arg9 : memref<128x64xf32, #tpu.memory_space<vmem>>) dst(%dma_wait3A_78 : memref<10000x64xf32, #tpu.memory_space<vmem_shared>>)
    } else {
    }
    %barrier3A_43 = arith.constant 0 : index
    tpu.barrier barrier_id(%barrier3A_43)
    %mul3A_44 = arith.constant 64 : i32
    %mul3A_45 = arith.muli %arg0, %mul3A_44 : i32
    "tpu.region"() ({
      %run_scoped3A_51 = tpu.sem_alloc : memref<!tpu.dma_semaphore, #tpu.memory_space<semaphore_mem>>
      %dma_start3A_52 = tpu.memref_slice %arg5[%mul3A_2, %mul3A_45] : memref<10000x128xf32, #tpu.memory_space<hbm>> -> memref<624x64xf32, #tpu.memory_space<hbm>>
      %dma_start3A_53 = arith.constant 0 : i32
      %dma_start3A_54 = tpu.memref_slice %arg6[%mul3A_2, %dma_start3A_53] : memref<10000x64xf32, #tpu.memory_space<vmem_shared>> -> memref<624x64xf32, #tpu.memory_space<vmem_shared>>
      tpu.enqueue_dma source(%dma_start3A_54 : memref<624x64xf32, #tpu.memory_space<vmem_shared>>) target(%dma_start3A_52 : memref<624x64xf32, #tpu.memory_space<hbm>>) target_semaphore(%run_scoped3A_51 : memref<!tpu.dma_semaphore, #tpu.memory_space<semaphore_mem>>)
      %dma_wait3A_55 = tpu.memref_slice %arg5[%mul3A_2, %mul3A_45] : memref<10000x128xf32, #tpu.memory_space<hbm>> -> memref<624x64xf32, #tpu.memory_space<hbm>>
      %dma_wait3A_56 = arith.constant 0 : i32
      %dma_wait3A_57 = tpu.memref_slice %arg6[%mul3A_2, %dma_wait3A_56] : memref<10000x64xf32, #tpu.memory_space<vmem_shared>> -> memref<624x64xf32, #tpu.memory_space<vmem_shared>>
      tpu.wait_dma2 semaphore(%run_scoped3A_51 : memref<!tpu.dma_semaphore, #tpu.memory_space<semaphore_mem>>) src(%dma_wait3A_57 : memref<624x64xf32, #tpu.memory_space<vmem_shared>>) dst(%dma_wait3A_55 : memref<624x64xf32, #tpu.memory_space<hbm>>)
      tpu.yield
    }) : () -> ()
    %eq3A_46 = arith.constant 15 : i32
    %eq3A_47 = arith.cmpi eq, %arg1, %eq3A_46 : i32
    %convert_element_type3A_48 = arith.extui %eq3A_47 : i1 to i32
    %cond3A_49 = arith.constant 0 : i32
    %cond3A_50 = arith.cmpi ne, %convert_element_type3A_48, %cond3A_49 : i32
    scf.if %cond3A_50 {
      %mul3A_51 = arith.constant 64 : i32
      %mul3A_52 = arith.muli %arg0, %mul3A_51 : i32
      "tpu.region"() ({
        %run_scoped3A_53 = tpu.sem_alloc : memref<!tpu.dma_semaphore, #tpu.memory_space<semaphore_mem>>
        %dma_start3A_54 = arith.constant 9984 : i32
        %dma_start3A_55 = tpu.memref_slice %arg5[%dma_start3A_54, %mul3A_52] : memref<10000x128xf32, #tpu.memory_space<hbm>> -> memref<16x64xf32, #tpu.memory_space<hbm>>
        %dma_start3A_56 = arith.constant 9984 : i32
        %dma_start3A_57 = arith.constant 0 : i32
        %dma_start3A_58 = tpu.memref_slice %arg6[%dma_start3A_56, %dma_start3A_57] : memref<10000x64xf32, #tpu.memory_space<vmem_shared>> -> memref<16x64xf32, #tpu.memory_space<vmem_shared>>
        tpu.enqueue_dma source(%dma_start3A_58 : memref<16x64xf32, #tpu.memory_space<vmem_shared>>) target(%dma_start3A_55 : memref<16x64xf32, #tpu.memory_space<hbm>>) target_semaphore(%run_scoped3A_53 : memref<!tpu.dma_semaphore, #tpu.memory_space<semaphore_mem>>)
        %dma_wait3A_59 = arith.constant 9984 : i32
        %dma_wait3A_60 = tpu.memref_slice %arg5[%dma_wait3A_59, %mul3A_52] : memref<10000x128xf32, #tpu.memory_space<hbm>> -> memref<16x64xf32, #tpu.memory_space<hbm>>
        %dma_wait3A_61 = arith.constant 9984 : i32
        %dma_wait3A_62 = arith.constant 0 : i32
        %dma_wait3A_63 = tpu.memref_slice %arg6[%dma_wait3A_61, %dma_wait3A_62] : memref<10000x64xf32, #tpu.memory_space<vmem_shared>> -> memref<16x64xf32, #tpu.memory_space<vmem_shared>>
        tpu.wait_dma2 semaphore(%run_scoped3A_53 : memref<!tpu.dma_semaphore, #tpu.memory_space<semaphore_mem>>) src(%dma_wait3A_63 : memref<16x64xf32, #tpu.memory_space<vmem_shared>>) dst(%dma_wait3A_60 : memref<16x64xf32, #tpu.memory_space<hbm>>)
        tpu.yield
      }) : () -> ()
    } else {
    }
    return
  }
}

module attributes {stable_mosaic.version = 14 : i64} {
  func.func @_mm1_body(%arg0: i32, %arg1: memref<1000x256xf32, #tpu.memory_space<vmem>>, %arg2: memref<256x128xf32, #tpu.memory_space<vmem>>, %arg3: memref<1x128xf32, #tpu.memory_space<vmem>>, %arg4: memref<1000x128xf32, #tpu.memory_space<vmem>>) attributes {dimension_semantics = [#tpu.dimension_semantics<arbitrary>], iteration_bounds = array<i64: 5>, scalar_prefetch = 0 : i64, scratch_operands = 0 : i64, tpu.core_type = #tpu.core_type<tc>, window_params = [{transform_indices = @transform_0, window_bounds = array<i64: 1000, 256>}, {pipeline_mode = #tpu.pipeline_mode<synchronous>, transform_indices = @transform_1, window_bounds = array<i64: 256, 128>}, {pipeline_mode = #tpu.pipeline_mode<synchronous>, transform_indices = @transform_2, window_bounds = array<i64: 1, 128>}, {transform_indices = @transform_3, window_bounds = array<i64: 1000, 128>}]} {
    %get3A = arith.constant 0 : index
    %get3A_0 = arith.constant 0 : index
    %get3A_1 = vector.load %arg1[%get3A, %get3A_0] : memref<1000x256xf32, #tpu.memory_space<vmem>>, vector<1000x256xf32>
    %get3A_2 = arith.constant 0 : index
    %get3A_3 = arith.constant 0 : index
    %get3A_4 = vector.load %arg2[%get3A_2, %get3A_3] : memref<256x128xf32, #tpu.memory_space<vmem>>, vector<256x128xf32>
    %dot_general3A = arith.constant dense<0.000000e+00> : vector<1000x128xf32>
    %dot_general3A_5 = tpu.matmul %get3A_1, %get3A_4, %dot_general3A {dimension_numbers = #tpu.dot_dimension_numbers<[1], [0], [0], [1], [0, 0, 1, 1], [], []>, transpose_lhs_hint = false} : vector<1000x256xf32>, vector<256x128xf32>, vector<1000x128xf32> -> vector<1000x128xf32>
    %get3A_6 = arith.constant 0 : index
    %get3A_7 = arith.constant 0 : index
    %get3A_8 = vector.load %arg3[%get3A_6, %get3A_7] : memref<1x128xf32, #tpu.memory_space<vmem>>, vector<1x128xf32>
    %add3A = vector.broadcast %get3A_8 : vector<1x128xf32> to vector<1000x128xf32>
    %add3A_9 = arith.addf %dot_general3A_5, %add3A : vector<1000x128xf32>
    %swap3A = arith.constant 0 : index
    %swap3A_10 = arith.constant 0 : index
    %swap3A_11 = vector.load %arg4[%swap3A, %swap3A_10] : memref<1000x128xf32, #tpu.memory_space<vmem>>, vector<1000x128xf32>
    tpu.vector_store %arg4[%swap3A, %swap3A_10], %add3A_9 {strides = array<i32>} : memref<1000x128xf32, #tpu.memory_space<vmem>>, vector<1000x128xf32>,
    return
  }
  func.func @transform_0(%arg0: i32) -> (i32, i32) {
    %c0_i32 = arith.constant 0 : i32
    %c0_i32_0 = arith.constant 0 : i32
    return %arg0, %c0_i32 : i32, i32
  }
  func.func @transform_1(%arg0: i32) -> (i32, i32) {
    %c0_i32 = arith.constant 0 : i32
    %c0_i32_0 = arith.constant 0 : i32
    %c0_i32_1 = arith.constant 0 : i32
    return %c0_i32, %c0_i32_0 : i32, i32
  }
  func.func @transform_2(%arg0: i32) -> (i32, i32) {
    %c0_i32 = arith.constant 0 : i32
    %c0_i32_0 = arith.constant 0 : i32
    %c0_i32_1 = arith.constant 0 : i32
    return %c0_i32, %c0_i32_0 : i32, i32
  }
  func.func @transform_3(%arg0: i32) -> (i32, i32) {
    %c0_i32 = arith.constant 0 : i32
    %c0_i32_0 = arith.constant 0 : i32
    return %arg0, %c0_i32 : i32, i32
  }
}

module attributes {stable_mosaic.version = 14 : i64} {
  func.func @_fin_body(%arg0: i32, %arg1: memref<2000x128xf32, #tpu.memory_space<vmem>>, %arg2: memref<2000x128xf32, #tpu.memory_space<vmem>>, %arg3: memref<64x64xf32, #tpu.memory_space<vmem>>, %arg4: memref<1x64xf32, #tpu.memory_space<vmem>>, %arg5: memref<1x64xf32, #tpu.memory_space<vmem>>, %arg6: memref<2000x64xf32, #tpu.memory_space<vmem>>) attributes {dimension_semantics = [#tpu.dimension_semantics<arbitrary>], iteration_bounds = array<i64: 5>, scalar_prefetch = 0 : i64, scratch_operands = 0 : i64, tpu.core_type = #tpu.core_type<tc>, window_params = [{transform_indices = @transform_0, window_bounds = array<i64: 2000, 128>}, {transform_indices = @transform_1, window_bounds = array<i64: 2000, 128>}, {pipeline_mode = #tpu.pipeline_mode<synchronous>, transform_indices = @transform_2, window_bounds = array<i64: 64, 64>}, {pipeline_mode = #tpu.pipeline_mode<synchronous>, transform_indices = @transform_3, window_bounds = array<i64: 1, 64>}, {pipeline_mode = #tpu.pipeline_mode<synchronous>, transform_indices = @transform_4, window_bounds = array<i64: 1, 64>}, {transform_indices = @transform_5, window_bounds = array<i64: 2000, 64>}]} {
    %get3A = arith.constant 0 : index
    %get3A_0 = arith.constant 0 : index
    %get3A_1 = vector.load %arg1[%get3A, %get3A_0] : memref<2000x128xf32, #tpu.memory_space<vmem>>, vector<2000x64xf32>
    %get3A_2 = arith.constant 0 : index
    %get3A_3 = arith.constant 64 : index
    %get3A_4 = vector.load %arg1[%get3A_2, %get3A_3] : memref<2000x128xf32, #tpu.memory_space<vmem>>, vector<2000x64xf32>
    %add3A = arith.addf %get3A_1, %get3A_4 : vector<2000x64xf32>
    %get3A_5 = arith.constant 0 : index
    %get3A_6 = arith.constant 0 : index
    %get3A_7 = vector.load %arg2[%get3A_5, %get3A_6] : memref<2000x128xf32, #tpu.memory_space<vmem>>, vector<2000x1xf32>
    %get3A_8 = arith.constant 0 : index
    %get3A_9 = arith.constant 16 : index
    %get3A_10 = vector.load %arg2[%get3A_8, %get3A_9] : memref<2000x128xf32, #tpu.memory_space<vmem>>, vector<2000x1xf32>
    %add3A_11 = arith.addf %get3A_7, %get3A_10 : vector<2000x1xf32>
    %max3A = arith.constant 1.000000e+00 : f32
    %max3A_12 = vector.broadcast %max3A : f32 to vector<2000x1xf32>
    %max3A_13 = arith.maximumf %add3A_11, %max3A_12 : vector<2000x1xf32>
    %div3A = vector.broadcast %max3A_13 : vector<2000x1xf32> to vector<2000x64xf32>
    %div3A_14 = arith.divf %add3A, %div3A : vector<2000x64xf32>
    %ge3A = arith.constant 0.000000e+00 : f32
    %ge3A_15 = vector.broadcast %ge3A : f32 to vector<2000x64xf32>
    %ge3A_16 = arith.cmpf oge, %div3A_14, %ge3A_15 : vector<2000x64xf32>
    %get3A_17 = arith.constant 0 : index
    %get3A_18 = arith.constant 0 : index
    %get3A_19 = vector.load %arg5[%get3A_17, %get3A_18] : memref<1x64xf32, #tpu.memory_space<vmem>>, vector<1x64xf32>
    %mul3A = vector.broadcast %get3A_19 : vector<1x64xf32> to vector<2000x64xf32>
    %mul3A_20 = arith.mulf %mul3A, %div3A_14 : vector<2000x64xf32>
    %select_n3A = arith.select %ge3A_16, %div3A_14, %mul3A_20 : vector<2000x64xi1>, vector<2000x64xf32>
    %get3A_21 = arith.constant 0 : index
    %get3A_22 = arith.constant 0 : index
    %get3A_23 = vector.load %arg3[%get3A_21, %get3A_22] : memref<64x64xf32, #tpu.memory_space<vmem>>, vector<64x64xf32>
    %dot_general3A = arith.constant dense<0.000000e+00> : vector<2000x64xf32>
    %dot_general3A_24 = tpu.matmul %select_n3A, %get3A_23, %dot_general3A {dimension_numbers = #tpu.dot_dimension_numbers<[1], [0], [0], [1], [0, 0, 1, 1], [], []>, transpose_lhs_hint = false} : vector<2000x64xf32>, vector<64x64xf32>, vector<2000x64xf32> -> vector<2000x64xf32>
    %get3A_25 = arith.constant 0 : index
    %get3A_26 = arith.constant 0 : index
    %get3A_27 = vector.load %arg4[%get3A_25, %get3A_26] : memref<1x64xf32, #tpu.memory_space<vmem>>, vector<1x64xf32>
    %add3A_28 = vector.broadcast %get3A_27 : vector<1x64xf32> to vector<2000x64xf32>
    %add3A_29 = arith.addf %dot_general3A_24, %add3A_28 : vector<2000x64xf32>
    %swap3A = arith.constant 0 : index
    %swap3A_30 = arith.constant 0 : index
    %swap3A_31 = vector.load %arg6[%swap3A, %swap3A_30] : memref<2000x64xf32, #tpu.memory_space<vmem>>, vector<2000x64xf32>
    tpu.vector_store %arg6[%swap3A, %swap3A_30], %add3A_29 {strides = array<i32>} : memref<2000x64xf32, #tpu.memory_space<vmem>>, vector<2000x64xf32>,
    return
  }
  func.func @transform_0(%arg0: i32) -> (i32, i32) {
    %c0_i32 = arith.constant 0 : i32
    %c0_i32_0 = arith.constant 0 : i32
    return %arg0, %c0_i32 : i32, i32
  }
  func.func @transform_1(%arg0: i32) -> (i32, i32) {
    %c0_i32 = arith.constant 0 : i32
    %c0_i32_0 = arith.constant 0 : i32
    return %arg0, %c0_i32 : i32, i32
  }
  func.func @transform_2(%arg0: i32) -> (i32, i32) {
    %c0_i32 = arith.constant 0 : i32
    %c0_i32_0 = arith.constant 0 : i32
    %c0_i32_1 = arith.constant 0 : i32
    return %c0_i32, %c0_i32_0 : i32, i32
  }
  func.func @transform_3(%arg0: i32) -> (i32, i32) {
    %c0_i32 = arith.constant 0 : i32
    %c0_i32_0 = arith.constant 0 : i32
    %c0_i32_1 = arith.constant 0 : i32
    return %c0_i32, %c0_i32_0 : i32, i32
  }
  func.func @transform_4(%arg0: i32) -> (i32, i32) {
    %c0_i32 = arith.constant 0 : i32
    %c0_i32_0 = arith.constant 0 : i32
    %c0_i32_1 = arith.constant 0 : i32
    return %c0_i32, %c0_i32_0 : i32, i32
  }
  func.func @transform_5(%arg0: i32) -> (i32, i32) {
    %c0_i32 = arith.constant 0 : i32
    %c0_i32_0 = arith.constant 0 : i32
    return %arg0, %c0_i32 : i32, i32
  }
}

</mosaic_0001>

<sc_bundles>
// kernel: kernel.6.cloned.1.call-start
scs
__scs_entry_jumppad:
0x0: {  	(pc) =	sbr.rel $0x88, $3  }
0x1: {  	(tag) =	ssettag $0x0;
	lr =	simm.s32 $0x1  }
0x2: {  	[smem:$0x3F9A] =	sst lr;
	_ =	strace $0xD0000000  }
0x3: {  	_ = 	snop  }
0x4: {  	_ = 	snop  }
0x5: {  	_ = 	snop  }
0x6: {  	_ = 	snop  }
0x7: {  	_ = 	snop  }
__scs_overlays_trampoline_lowered:
0x8: {  	[smem:$0x3FA9] =	sst s0  }
0x9: {  	[smem:$0x3FAA] =	sst s1  }
0xa: {  	[smem:$0x3FAB] =	sst s2  }
0xb: {  	[smem:$0x3FAC] =	sst s3  }
0xc: {  	[smem:$0x3FAD] =	sst s4  }
0xd: {  	[smem:$0x3FAE] =	sst s5  }
0xe: {  	[smem:$0x3FAF] =	sst s6  }
0xf: {  	[smem:$0x3FB0] =	sst s7  }
0x10: {  	[smem:$0x3FB1] =	sst s8  }
0x11: {  	[smem:$0x3FB2] =	sst s9;
	s0 =	simm.s32 @!p0 $0x0  }
0x12: {  	s1 =	sld [smem:$0x3F98];
	s0 =	simm.s32 @p0 $0x1  }
0x13: {  	[smem:$0x3FB3] =	sst s0;
	s0 =	simm.s32 @!p1 $0x0  }
0x14: {  	s2 =	sld [smem:$0x3F97];
	s0 =	simm.s32 @p1 $0x1  }
0x15: {  	[smem:$0x3FB4] =	sst s0;
	s0 =	simm.s32 @!p2 $0x0  }
0x16: {  	s3 =	sld [smem:$0x3FDB];
	s0 =	simm.s32 @p2 $0x1  }
0x17: {  	s4 =	simm.s32 $0x1BF5;
	[smem:$0x3FB6] =	sst s0  }
0x18: {  	s0 =	sld [smem:$0x3F99];
	_ =	swait.ge [sflag:s4], $0x0  }
0x19: {  	s7 =	sld [smem:$0x3F9A]  }
0x1a: {  	s8 =	sadd.s32 $0xFFFFE003, lr  }
0x1b: {  	s9 =	sadd.s32 $0xFFFFFEF7, lr;
	s5 =	simm.s32 $0xFFFFFFFF;
	p2 =	slt.u32 s8, $0xFFFFF086  }
0x1c: {  	p1 =	slt.u32 s9, $0xF7A;
	s5 =	simm.s32 @!p2 $0x0  }
0x1d: {  	s5 =	simm.s32 @p1 $0x1;
	p0 =	seq.s32 s7, s2  }
0x1e: {  	s7 =	smul.u32 @!p0 $0xF7A, s2;
	p2 =	seq.s32 @!p0 s5, $0x0  }
0x1f: {  	s9 =	smul.u32 $0xF7A, s1;
	s8 =	simm.s32 @!p0 $0x1BF5;
	p2 =	por !p2, p0  }
0x20: {  	[sflag:s8] =	ssyncset.s32 @!p0 $0xFFFFF086;
	s6 =	sadd.s32 @!p0 s3, s7;
	s7 =	simm.s32 @!p0 $0x108  }
0x21: {  	s3 =	sadd.s32 s3, s9;
	s6 =	sadd.s32 @!p0 $0x88, s6;
	s7 =	simm.s32 @p2 $0x1082  }
0x22: {  	[simem:s7], [sflag:s8] =	dma.local @!p0 [hbm:s6], $0xF7A  }
0x23: {  	s9 =	sor.u32 $0xD0000000, s2;
	s6 =	simm.s32 $0x108;
	_ =	swait.ge @!p0 [sflag:s8], $0x0  }
0x24: {  	s3 =	sadd.s32 $0x88, s3;
	s6 =	simm.s32 @!p1 $0x1082;
	[sflag:s4] =	ssyncset.s32 $0xFFFFF086  }
0x25: {  	[simem:s6], [sflag:s4] =	dma.local [hbm:s3], $0xF7A  }
0x26: {  	[smem:$0x3F9A] =	sst s1;
	(tag) =	ssettag s2;
	_ =	strace s9  }
0x27: {  	s1 =	sld [smem:$0x3FAA]  }
0x28: {  	s2 =	sld [smem:$0x3FAB]  }
0x29: {  	s4 =	sld [smem:$0x3FAD]  }
0x2a: {  	p0 =	seq.s32 s5, $0x0;
	s5 =	sld [smem:$0x3FAE]  }
0x2b: {  	s6 =	sld [smem:$0x3FAF]  }
0x2c: {  	s7 =	sld [smem:$0x3FB0]  }
0x2d: {  	s3 =	simm.s32 $0x108;
	s8 =	sld [smem:$0x3FB1]  }
0x2e: {  	s3 =	simm.s32 @!p0 $0x1082;
	s9 =	sld [smem:$0x3FB2]  }
0x2f: {  	lr =	sadd.s32 s0, s3;
	s0 =	sld [smem:$0x3FA9]  }
0x30: {  	s3 =	sld [smem:$0x3FAC]  }
0x31: {  	[smem:$0x3FB5] =	sst s10  }
0x32: {  	s10 =	sld [smem:$0x3FB3];
	_ =	sdelay $0x3  }
0x33: {  	p0 =	seq.s32 s10, $0x1;
	s10 =	sld [smem:$0x3FB5];
	_ =	sdelay $0x3  }
0x34: {  	[smem:$0x3FB5] =	sst s10  }
0x35: {  	s10 =	sld [smem:$0x3FB4];
	_ =	sdelay $0x3  }
0x36: {  	p1 =	seq.s32 s10, $0x1;
	s10 =	sld [smem:$0x3FB5];
	_ =	sdelay $0x3  }
0x37: {  	[smem:$0x3FB5] =	sst s10  }
0x38: {  	s10 =	sld [smem:$0x3FB6]  }
0x39: {  	_ = 	snop;
	(pc) =	sbr.ind lr, $3  }
0x3a: {  	_ = 	snop  }
0x3b: {  	_ = 	snop  }
0x3c: {  	p2 =	seq.s32 s10, $0x1;
	s10 =	sld [smem:$0x3FB5]  }
0x3d: {  	_ =	shalt  }
0x3e: {  	_ =	shalt  }
0x3f: {  	_ =	shalt  }
0x40: {  	_ =	shalt  }
0x41: {  	_ =	shalt  }
0x42: {  	_ =	shalt  }
0x43: {  	_ =	shalt  }
0x44: {  	_ =	shalt  }
0x45: {  	_ =	shalt  }
0x46: {  	_ =	shalt  }
0x47: {  	_ =	shalt  }
0x48: {  	_ =	shalt  }
0x49: {  	_ =	shalt  }
0x4a: {  	_ =	shalt  }
0x4b: {  	_ =	shalt  }
0x4c: {  	_ =	shalt  }
0x4d: {  	_ =	shalt  }
0x4e: {  	_ =	shalt  }
0x4f: {  	_ =	shalt  }
0x50: {  	_ =	shalt  }
0x51: {  	_ =	shalt  }
0x52: {  	_ =	shalt  }
0x53: {  	_ =	shalt  }
0x54: {  	_ =	shalt  }
0x55: {  	_ =	shalt  }
0x56: {  	_ =	shalt  }
0x57: {  	_ =	shalt  }
0x58: {  	_ =	shalt  }
0x59: {  	_ =	shalt  }
0x5a: {  	_ =	shalt  }
0x5b: {  	_ =	shalt  }
0x5c: {  	_ =	shalt  }
0x5d: {  	_ =	shalt  }
0x5e: {  	_ =	shalt  }
0x5f: {  	_ =	shalt  }
0x60: {  	_ =	shalt  }
0x61: {  	_ =	shalt  }
0x62: {  	_ =	shalt  }
0x63: {  	_ =	shalt  }
0x64: {  	_ =	shalt  }
0x65: {  	_ =	shalt  }
0x66: {  	_ =	shalt  }
0x67: {  	_ =	shalt  }
0x68: {  	_ =	shalt  }
0x69: {  	_ =	shalt  }
0x6a: {  	_ =	shalt  }
0x6b: {  	_ =	shalt  }
0x6c: {  	_ =	shalt  }
0x6d: {  	_ =	shalt  }
0x6e: {  	_ =	shalt  }
0x6f: {  	_ =	shalt  }
0x70: {  	_ =	shalt  }
0x71: {  	_ =	shalt  }
0x72: {  	_ =	shalt  }
0x73: {  	_ =	shalt  }
0x74: {  	_ =	shalt  }
0x75: {  	_ =	shalt  }
0x76: {  	_ =	shalt  }
0x77: {  	_ =	shalt  }
0x78: {  	_ =	shalt  }
0x79: {  	_ =	shalt  }
0x7a: {  	_ =	shalt  }
0x7b: {  	_ =	shalt  }
0x7c: {  	_ =	shalt  }
0x7d: {  	_ =	shalt  }
0x7e: {  	_ =	shalt  }
0x7f: {  	_ =	shalt  }
0x80: {  	_ =	shalt  }
0x81: {  	_ =	shalt  }
0x82: {  	_ =	shalt  }
0x83: {  	_ =	shalt  }
0x84: {  	_ =	shalt  }
0x85: {  	_ =	shalt  }
0x86: {  	_ =	shalt  }
0x87: {  	_ =	shalt  }
.Lfunc_end0:
.L_simem_size_0:
called_computation_lowered:
.L_overlay_start_0:
0x88: {  	s2 =	sld [smem:$0x3FD9]  }
0x89: {  	s3 =	sld [smem:$0x3FFE];
	_ =	sdelay $0x1  }
0x8a: {  	s1 =	srdreg.scid  }
0x8b: {  	s0 =	sand.u32 $0x1, s1  }
0x8c: {  	s17 =	sshll.u32 s0, $0xA;
	s2 =	sadd.s32 s3, s2  }
0x8d: {  	s2 =	sadd.s32 s2, s17  }
0x8e: {  	[smem:$0x3FC1] =	sst s2  }
0x8f: {  	_ = 	snop  }
0x90: {  	s2 =	sld [smem:$0x3FD0];
	(tm) =	ssettm $0x1  }
0x91: {  	s18 =	sld [smem:$0x3FFB];
	_ =	sdelay $0x3  }
0x92: {  	_ =	strace s18  }
0x93: {  	s3 =	sld [smem:$0x3FFC];
	_ =	sdelay $0x3  }
0x94: {  	_ =	strace s3  }
0x95: {  	s3 =	sld [smem:$0x3FFD];
	_ =	sdelay $0x3  }
0x96: {  	_ =	strace s3  }
0x97: {  	_ =	strace $0x8FFFFFFF  }
0x98: {  	s19 =	sld [smem:$0x3FDB];
	_ =	sdelay $0x1  }
0x99: {  	s4 =	simm.s32 $_scs_section_size  }
0x9a: {  	s5 =	simm.s32 $_size__tile_overlayer_lowered;
	s6 =	simm.s32 $_tile_overlayer_lowered  }
0x9b: {  	s22 =	simm.s32 $0x1BFF;
	s21 =	sshll.u32 s6, $0x1;
	s3 =	sadd.s32 s4, s19  }
0x9c: {  	s7 =	simm.s32 $0x0;
	s20 =	sshll.u32 s5, $0x1;
	s5 =	sadd.s32 s21, s3  }
0x9d: {  	[timem:s7], [sflag:s22] =	dma.local [hbm:s5], s20  }
0x9e: {  	_ =	swait.ge [sflag:s22], s20  }
0x9f: {  	s4 =	ssub.s32 $0x0, s20;
	[sflag:s22] =	ssyncset.done $0x0  }
0xa0: {  	[sflag:s22] =	ssyncadd.s32 s4;
	_ =	sdelay $0x1  }
0xa1: {  	s23 =	simm.s32 $0x1B8B  }
0xa2: {  	_ =	swait.ge [sflag:s23], $0x1  }
0xa3: {  	[sflag:s23] =	ssyncset.done $0x0  }
0xa4: {  	s25 =	simm.s32 $0x1B8E;
	s24 =	sld [smem:$0x3FFE];
	[sflag:s23] =	ssyncadd.s32 $0xFFFFFFFF  }
0xa5: {  	s26 =	simm.s32 $execute0_lowered;
	[smem:$0x3FD2] =	sst s25  }
0xa6: {  	s5 =	sshll.u32 s26, $0x1;
	_ =	strace $0x80000046;
	[dreg:$0x1] =	wrdreg $0xFFFFFFFF  }
0xa7: {  	s28 =	simm.s32 $_size_execute0_lowered;
	s3 =	sadd.s32 s3, s5;
	[dreg:$0x0] =	wrdreg $0x0  }
0xa8: {  	s5 =	sshll.u32 s28, $0x1;
	[dreg:$0x2] =	wrdreg s3  }
0xa9: {  	[dreg:$0x3] =	wrdreg s5  }
0xaa: {  	[dreg:$0x4] =	wrdreg $0xC0  }
0xab: {  	_ =	task [dreg:s7], $0x5FFFF  }
0xac: {  	[dreg:$0x1] =	wrdreg $0xFFFFFFFF  }
0xad: {  	[dreg:$0x0] =	wrdreg $0x60  }
0xae: {  	[dreg:$0x2] =	wrdreg s24  }
0xaf: {  	[dreg:$0x3] =	wrdreg s2  }
0xb0: {  	[dreg:$0x4] =	wrdreg $0x0  }
0xb1: {  	[dreg:$0x5] =	wrdreg $0x9  }
0xb2: {  	_ =	task.clear_ibuf [dreg:s7], $0x6FFFF;
	_ =	strace $0x90000046  }
0xb3: {  	s29 =	simm.s32 $0x9;
	_ =	strace $0x80000048  }
0xb4: {  	_ =	swait.ge [sflag:s29], $0x1  }
0xb5: {  	[sflag:s29] =	ssyncadd.s32 $0xFFFFFFFF  }
0xb6: {  	_ =	strace $0x90000048  }
0xb7: {  	_ =	sfence  }
0xb8: {  	s30 =	sld [smem:$0x0];
	_ =	sdelay $0x2  }
0xb9: {  	s31 =	sshll.u32 s1, $0xD;
	s1 =	sshrl.u32 s1, $0x2  }
0xba: {  	s3 =	sand.u32 $0x4000, s31;
	s1 =	sadd.s32 s1, s30  }
0xbb: {  	s0 =	sor.u32 s3, s0;
	s1 =	sshll.u32 s1, $0x11  }
0xbc: {  	s0 =	sor.u32 s1, s0  }
0xbd: {  	s0 =	sadd.s32 $0x8F2B, s0  }
0xbe: {  	[sflag:s0] =	ssyncadd.remote.s32 $0x1  }
0xbf: {  	_ =	sfence.sel $0xFFFF  }
0xc0: {  	[dreg:$0x0] =	wrdreg $0xFFFFFFFF;
	(pc) =	sbr.abs _section_cstart, $3  }
0xc1: {  	[dreg:$0x1] =	wrdreg $0xFFFFFFFF  }
0xc2: {  	_ =	task.clear_ibuf [dreg:s7], $0x2FFFF;
	_ =	strace $0x9FFFFFFF  }
0xc3: {  	(tm) =	ssettm $0x7FFFFFFF  }
tec
execute0_lowered:
.L_overlay_start_1:
0x0: {  	(tag) =	ssettag $0x1  }
0x1: {  	s5 =	rddreg [dreg:$0x0]  }
0x2: {  	s1 =	srdreg.scid;
	s7 =	rddreg [dreg:$0x1]  }
0x3: {  	s0 =	stileid.u32;
	s2 =	rddreg [dreg:$0x2];
	s3 =	simm.s32 $0x0  }
0x4: {  	s17 =	simm.s32 $0x4E90;
	s18 =	simm.s32 $0x80;
	s19 =	simm.s32 $0x1  }
0x5: {  	s20 =	simm.s32 $0x2;
	s21 =	simm.s32 $0x4D90;
	s22 =	simm.s32 $0x10  }
0x6: {  	s23 =	simm.s32 $0x0;
	s9 =	sand.u32 $0x1, s1;
	s1 =	rddreg [dreg:$0x3]  }
0x7: {  	s24 =	sshll.u32 s0, $0x1;
	[smem:$0x7FF] =	sst s3;
	s8 =	smul.u32 $0x2700, s0  }
0x8: {  	s12 =	sadd.s32 $0x15800, s5;
	s28 =	sshll.u32 s0, $0x6;
	s29 =	smul.u32 $0x13800, s0  }
0x9: {  	s15 =	sadd.s32 $0x27000, s2;
	p0 =	sne.s32 s0, $0xF;
	p1 =	sgt.u32 s0, $0x1  }
0xa: {  	s4 =	sor.u32 s9, s24;
	_ =	strace $0x80000047;
	s25 =	ssub.s32 $0x2, s9  }
0xb: {  	s30 =	sshll.u32 s9, $0x4;
	s16 =	sshll.u32 s9, $0x1;
	s15 =	sshrl.u32 @!p0 s15, $0x3  }
0xc: {  	s6 =	smul.u32 $0x4E, s4;
	s4 =	smin.u32 s4, $0x4;
	s11 =	sshrl.u32 s25, $0x1  }
0xd: {  	s14 =	sadd.s32 s8, s2;
	s26 =	sshrl.u32 s8, $0x3;
	s31 =	sadd.s32 s16, s12  }
0xe: {  	s16 =	simm.s32 $0x2710;
	s13 =	ssub.s32 s25, s11;
	s4 =	sadd.s32 s4, s6  }
0xf: {  	s11 =	sor.u32 s30, s29;
	s6 =	sor.u32 $0x1C03, s28;
	s4 =	sshll.u32 s4, $0x4  }
0x10: {  	s11 =	sshrl.u32 s11, $0x3;
	s10 =	sadd.s32 s4, s5;
	s4 =	sadd.s32 $0x15600, s5  }
0x11: {  	s5 =	sadd.s32 s7, s26;
	s7 =	sadd.s32 $0x4E00, s7;
	s8 =	sadd.s32 $0xB840, s10  }
0x12: {  	s9 =	sadd.s32 $0xBD20, s10;
	s10 =	sadd.s32 s12, s11;
	s11 =	sadd.s32 $0x27000, s31  }
0x13: {  	s12 =	smax.u32 s13, $0x1;
	s13 =	sshrl.u32 s14, $0x3;
	s14 =	simm.s32 $0x3  }
.LBB2_1:
0x14: {  	[spmem:s13], [sflag:s6] =	dma.local [hbm:s5], $0x4E0  }
0x15: {  	_ =	swait.ge [sflag:s14], $0x4E0  }
0x16: {  	[sflag:s14] =	ssyncset.done $0x0  }
0x17: {  	s24 =	simm.s32 @!p0 $0x3;
	[sflag:s14] =	ssyncadd.s32 $0xFFFFFB20  }
0x18: {  	[spmem:s15], [sflag:s6] =	dma.local @!p0 [hbm:s7], $0x20  }
0x19: {  	_ =	swait.ge @!p0 [sflag:s24], $0x20  }
0x1a: {  	[sflag:s24] =	ssyncset.done @!p0 $0x0  }
0x1b: {  	[sflag:s24] =	ssyncadd.s32 @!p0 $0xFFFFFFE0  }
0x1c: {  	[tilespmem:s16], [sflag:$0x3] =	stream.linear.gather [hbm4b:s8+s3], $0x2700, $0x38;
	[tilespmem:$0x5690] =	vst v63  }
0x1d: {  	_ =	swait.ge [sflag:s14], $0x2700  }
0x1e: {  	[sflag:s14] =	ssyncset.done $0x0  }
0x1f: {  	s25 =	simm.s32 @!p1 $0x4E10;
	s24 =	simm.s32 @!p1 $0x0;
	[sflag:s14] =	ssyncadd.s32 $0xFFFFD900  }
0x20: {  	[tilespmem:s25], [sflag:$0x3] =	stream.linear.gather @!p1 [hbm4b:s9+s24], $0x80, $0x38;
	[tilespmem:$0x5690] =	vst v63  }
0x21: {  	s24 =	simm.s32 @!p1 $0x3  }
0x22: {  	_ =	swait.ge @!p1 [sflag:s24], $0x80  }
0x23: {  	[sflag:s24] =	ssyncset.done @!p1 $0x0  }
0x24: {  	[sflag:s24] =	ssyncadd.s32 @!p1 $0xFFFFFF80  }
0x25: {  	[tilespmem:s17], [sflag:$0x3] =	stream.linear.gather [hbm4b:s4+s3], $0x800, $0x38;
	[tilespmem:$0x5690] =	vst v63  }
0x26: {  	_ =	swait.ge [sflag:s14], $0x800  }
0x27: {  	[sflag:s14] =	ssyncset.done $0x0  }
0x28: {  	[sflag:s14] =	ssyncadd.s32 $0xFFFFF800  }
0x29: {  	[bflag:$0x0] =	sbarrier.arrive $0xFFFF  }
0x2a: {  	[spmem:s2] =	stream.indirect.scatter.add.f32 [tilespmem:s17], [sflag:$0x1], $0x10, s16, s18, $0xb8;
	[tilespmem:$0x5690] =	vst v63  }
0x2b: {  	s30 =	simm.s32 $0x2790  }
0x2c: {  	[spmem:s2] =	stream.indirect.scatter.add.f32 [tilespmem:s17], [sflag:$0x2], $0x10, s30, s18, $0xb8;
	[tilespmem:$0x5690] =	vst v63  }
0x2d: {  	_ =	swait.ge [sflag:s19], $0x800  }
0x2e: {  	[sflag:s19] =	ssyncset.done $0x0  }
0x2f: {  	s31 =	simm.s32 $0x2810;
	[sflag:s19] =	ssyncadd.s32 $0xFFFFF800  }
0x30: {  	[spmem:s2] =	stream.indirect.scatter.add.f32 [tilespmem:s17], [sflag:$0x1], $0x10, s31, s18, $0xb8;
	[tilespmem:$0x5690] =	vst v63  }
0x31: {  	_ =	swait.ge [sflag:s20], $0x800  }
0x32: {  	s25 =	simm.s32 $0xFFFF7000;
	s24 =	simm.s32 $0xFFFFDB00;
	[sflag:s20] =	ssyncset.done $0x0  }
.LBB2_2:
0x33: {  	s26 =	sadd.s32 $0x4D90, s24  }
0x34: {  	[sflag:s20] =	ssyncadd.s32 $0xFFFFF800;
	s28 =	smov.u32 s25;
	s29 =	sadd.s32 $0x400, s25  }
0x35: {  	[spmem:s2] =	stream.indirect.scatter.add.f32 [tilespmem:s17], [sflag:$0x2], $0x10, s26, s18, $0xb8;
	[tilespmem:$0x5690] =	vst v63  }
0x36: {  	p2 =	sne.s32 s25, $0xFFFFFC00;
	_ =	swait.ge [sflag:s19], $0x800  }
.Ltmp0:
0x37: {  	[sflag:s19] =	ssyncset.done $0x0;
	(pc) =	sbr.rel @p2 .LBB2_2-.Ltmp0, $4  }
0x38: {  	s24 =	sadd.s32 $0x4E10, s24;
	[sflag:s19] =	ssyncadd.s32 $0xFFFFF800  }
0x39: {  	[spmem:s2] =	stream.indirect.scatter.add.f32 [tilespmem:s17], [sflag:$0x1], $0x10, s24, s18, $0xb8;
	[tilespmem:$0x5690] =	vst v63  }
0x3a: {  	_ =	swait.ge [sflag:s20], $0x800  }
0x3b: {  	s25 =	smov.u32 s29;
	s24 =	sshra.s32 s28, $0x2;
	[sflag:s20] =	ssyncset.done $0x0  }
0x3c: {  	s25 =	sadd.s32 $0x4D90, s24;
	[sflag:s20] =	ssyncadd.s32 $0xFFFFF800  }
0x3d: {  	[spmem:s2] =	stream.indirect.scatter.add.f32 [tilespmem:s17], [sflag:$0x2], $0x10, s25, s18, $0xb8;
	[tilespmem:$0x5690] =	vst v63  }
0x3e: {  	_ =	swait.ge [sflag:s19], $0x800  }
0x3f: {  	[sflag:s19] =	ssyncset.done $0x0  }
0x40: {  	s31 =	sadd.s32 $0x4E10, s24;
	[sflag:s19] =	ssyncadd.s32 $0xFFFFF800  }
0x41: {  	[spmem:s2] =	stream.indirect.scatter.add.f32 [tilespmem:s17], [sflag:$0x1], $0x10, s31, s18, $0xb8;
	[tilespmem:$0x5690] =	vst v63  }
0x42: {  	_ =	swait.ge [sflag:s20], $0x800  }
0x43: {  	[sflag:s20] =	ssyncset.done $0x0  }
0x44: {  	[sflag:s20] =	ssyncadd.s32 $0xFFFFF800  }
0x45: {  	[spmem:s2] =	stream.indirect.scatter.add.f32 [tilespmem:s17], [sflag:$0x2], $0x10, s21, s18, $0xb8;
	[tilespmem:$0x5690] =	vst v63  }
0x46: {  	_ =	swait.ge [sflag:s19], $0x800  }
0x47: {  	[sflag:s19] =	ssyncset.done $0x0  }
0x48: {  	[sflag:s19] =	ssyncadd.s32 $0xFFFFF800  }
0x49: {  	_ =	swait.ge [sflag:s20], $0x800  }
0x4a: {  	s24 =	simm.s32 @!p1 $0x80;
	[sflag:s20] =	ssyncset.done $0x0  }
0x4b: {  	s26 =	simm.s32 @!p1 $0x4E90;
	s25 =	simm.s32 @!p1 $0x4E10;
	[sflag:s20] =	ssyncadd.s32 $0xFFFFF800  }
0x4c: {  	[spmem:s2] =	stream.indirect.scatter.add.f32 @!p1 [tilespmem:s26], [sflag:$0x1], $0x10, s25, s24, $0xb8;
	[tilespmem:$0x5690] =	vst v63  }
0x4d: {  	s24 =	simm.s32 @!p1 $0x1  }
0x4e: {  	_ =	swait.ge @!p1 [sflag:s24], $0x800  }
0x4f: {  	[sflag:s24] =	ssyncset.done @!p1 $0x0  }
0x50: {  	[sflag:s24] =	ssyncadd.s32 @!p1 $0xFFFFF800  }
0x51: {  	[bflag:$0x0] =	sbarrier.arrive $0xFFFF  }
0x52: {  	[hbm:s10@s22], [sflag:s6] =	dma.strided [spmem:s13@s20], $0x4E0, s19, $0x2   }
0x53: {  	s23 =	sadd.s32 $0x1, s23;
	_ =	swait.ge [sflag:s14], $0x4E0  }
0x54: {  	p2 =	sne.s32 s23, s12;
	s25 =	simm.s32 @!p0 $0x10;
	[sflag:s14] =	ssyncset.done $0x0  }
0x55: {  	s26 =	simm.s32 @!p0 $0x2;
	s24 =	simm.s32 @!p0 $0x1;
	[sflag:s14] =	ssyncadd.s32 $0xFFFFFB20  }
0x56: {  	[hbm:s11@s25], [sflag:s6] =	dma.strided @!p0 [spmem:s15@s26], $0x20, s24, $0x2   }
.Ltmp1:
0x57: {  	_ = 	snop;
	(pc) =	sbr.rel @p2 .LBB2_1-.Ltmp1, $4  }
0x58: {  	s24 =	simm.s32 @!p0 $0x3  }
0x59: {  	_ =	swait.ge @!p0 [sflag:s24], $0x20  }
0x5a: {  	[sflag:s24] =	ssyncset.done @!p0 $0x0  }
0x5b: {  	[sflag:s24] =	ssyncadd.s32 @!p0 $0xFFFFFFE0  }
0x5c: {  	_ =	sfence.sel $0x180000  }
0x5d: {  	[bflag:$0x0] =	sbarrier.arrive $0xFFFF  }
0x5e: {  	p0 =	sne.s32 s0, $0x0;
	_ =	strace $0x90000047  }
0x5f: {  	s0 =	sadd.s32 @!p0 $0x100000, s1;
	[bflag:$0x2] =	sbarrier.arrive $0xFFFF  }
0x60: {  	[sflag:s0] =	ssyncadd.tile.s32 @!p0 $0x1;
	_ =	shalt  }
.Lfunc_end2:
_tile_overlayer_lowered:
.L_overlay_start_2:
0x61: {  	(tag) =	ssettag $0x2  }
0x62: {  	s0 =	rddreg [dreg:$0x0];
	s2 =	stileid.u32  }
0x63: {  	s1 =	rddreg [dreg:$0x1];
	p0 =	sne.s32 s2, $0x0  }
0x64: {  	s3 =	rddreg [dreg:$0x2];
	[bflag:$0x3] =	sbarrier.arrive $0xFFFF;
	s2 =	simm.s32 @!p0 $0x1C03  }
0x65: {  	[timem:s3], [sflag:s2] =	dma.local @!p0 [hbm:s0], s1  }
0x66: {  	s0 =	simm.s32 @!p0 $0x3  }
0x67: {  	_ =	swait.ge @!p0 [sflag:s0], s1  }
0x68: {  	s1 =	ssub.s32 @!p0 $0x0, s1;
	[sflag:s0] =	ssyncset.done @!p0 $0x0  }
0x69: {  	[sflag:s0] =	ssyncadd.s32 @!p0 s1  }
0x6a: {  	[bflag:$0x3] =	sbarrier.arrive $0xFFFF  }
0x6b: {  	_ =	shalt  }

// kernel: kernel.9.cloned.1.call-start
scs
__scs_entry_jumppad:
0x0: {  	(pc) =	sbr.rel $0x88, $3  }
0x1: {  	(tag) =	ssettag $0x0;
	lr =	simm.s32 $0x1  }
0x2: {  	[smem:$0x3F9A] =	sst lr;
	_ =	strace $0xD0000000  }
0x3: {  	_ = 	snop  }
0x4: {  	_ = 	snop  }
0x5: {  	_ = 	snop  }
0x6: {  	_ = 	snop  }
0x7: {  	_ = 	snop  }
__scs_overlays_trampoline_lowered:
0x8: {  	[smem:$0x3FA9] =	sst s0  }
0x9: {  	[smem:$0x3FAA] =	sst s1  }
0xa: {  	[smem:$0x3FAB] =	sst s2  }
0xb: {  	[smem:$0x3FAC] =	sst s3  }
0xc: {  	[smem:$0x3FAD] =	sst s4  }
0xd: {  	[smem:$0x3FAE] =	sst s5  }
0xe: {  	[smem:$0x3FAF] =	sst s6  }
0xf: {  	[smem:$0x3FB0] =	sst s7  }
0x10: {  	[smem:$0x3FB1] =	sst s8  }
0x11: {  	[smem:$0x3FB2] =	sst s9;
	s0 =	simm.s32 @!p0 $0x0  }
0x12: {  	s1 =	sld [smem:$0x3F98];
	s0 =	simm.s32 @p0 $0x1  }
0x13: {  	[smem:$0x3FB3] =	sst s0;
	s0 =	simm.s32 @!p1 $0x0  }
0x14: {  	s2 =	sld [smem:$0x3F97];
	s0 =	simm.s32 @p1 $0x1  }
0x15: {  	[smem:$0x3FB4] =	sst s0;
	s0 =	simm.s32 @!p2 $0x0  }
0x16: {  	s3 =	sld [smem:$0x3FDB];
	s0 =	simm.s32 @p2 $0x1  }
0x17: {  	s4 =	simm.s32 $0x1BF5;
	[smem:$0x3FB6] =	sst s0  }
0x18: {  	s0 =	sld [smem:$0x3F99];
	_ =	swait.ge [sflag:s4], $0x0  }
0x19: {  	s7 =	sld [smem:$0x3F9A]  }
0x1a: {  	s8 =	sadd.s32 $0xFFFFE003, lr  }
0x1b: {  	s9 =	sadd.s32 $0xFFFFFEF7, lr;
	s5 =	simm.s32 $0xFFFFFFFF;
	p2 =	slt.u32 s8, $0xFFFFF086  }
0x1c: {  	p1 =	slt.u32 s9, $0xF7A;
	s5 =	simm.s32 @!p2 $0x0  }
0x1d: {  	s5 =	simm.s32 @p1 $0x1;
	p0 =	seq.s32 s7, s2  }
0x1e: {  	s7 =	smul.u32 @!p0 $0xF7A, s2;
	p2 =	seq.s32 @!p0 s5, $0x0  }
0x1f: {  	s9 =	smul.u32 $0xF7A, s1;
	s8 =	simm.s32 @!p0 $0x1BF5;
	p2 =	por !p2, p0  }
0x20: {  	[sflag:s8] =	ssyncset.s32 @!p0 $0xFFFFF086;
	s6 =	sadd.s32 @!p0 s3, s7;
	s7 =	simm.s32 @!p0 $0x108  }
0x21: {  	s3 =	sadd.s32 s3, s9;
	s6 =	sadd.s32 @!p0 $0x88, s6;
	s7 =	simm.s32 @p2 $0x1082  }
0x22: {  	[simem:s7], [sflag:s8] =	dma.local @!p0 [hbm:s6], $0xF7A  }
0x23: {  	s9 =	sor.u32 $0xD0000000, s2;
	s6 =	simm.s32 $0x108;
	_ =	swait.ge @!p0 [sflag:s8], $0x0  }
0x24: {  	s3 =	sadd.s32 $0x88, s3;
	s6 =	simm.s32 @!p1 $0x1082;
	[sflag:s4] =	ssyncset.s32 $0xFFFFF086  }
0x25: {  	[simem:s6], [sflag:s4] =	dma.local [hbm:s3], $0xF7A  }
0x26: {  	[smem:$0x3F9A] =	sst s1;
	(tag) =	ssettag s2;
	_ =	strace s9  }
0x27: {  	s1 =	sld [smem:$0x3FAA]  }
0x28: {  	s2 =	sld [smem:$0x3FAB]  }
0x29: {  	s4 =	sld [smem:$0x3FAD]  }
0x2a: {  	p0 =	seq.s32 s5, $0x0;
	s5 =	sld [smem:$0x3FAE]  }
0x2b: {  	s6 =	sld [smem:$0x3FAF]  }
0x2c: {  	s7 =	sld [smem:$0x3FB0]  }
0x2d: {  	s3 =	simm.s32 $0x108;
	s8 =	sld [smem:$0x3FB1]  }
0x2e: {  	s3 =	simm.s32 @!p0 $0x1082;
	s9 =	sld [smem:$0x3FB2]  }
0x2f: {  	lr =	sadd.s32 s0, s3;
	s0 =	sld [smem:$0x3FA9]  }
0x30: {  	s3 =	sld [smem:$0x3FAC]  }
0x31: {  	[smem:$0x3FB5] =	sst s10  }
0x32: {  	s10 =	sld [smem:$0x3FB3];
	_ =	sdelay $0x3  }
0x33: {  	p0 =	seq.s32 s10, $0x1;
	s10 =	sld [smem:$0x3FB5];
	_ =	sdelay $0x3  }
0x34: {  	[smem:$0x3FB5] =	sst s10  }
0x35: {  	s10 =	sld [smem:$0x3FB4];
	_ =	sdelay $0x3  }
0x36: {  	p1 =	seq.s32 s10, $0x1;
	s10 =	sld [smem:$0x3FB5];
	_ =	sdelay $0x3  }
0x37: {  	[smem:$0x3FB5] =	sst s10  }
0x38: {  	s10 =	sld [smem:$0x3FB6]  }
0x39: {  	_ = 	snop;
	(pc) =	sbr.ind lr, $3  }
0x3a: {  	_ = 	snop  }
0x3b: {  	_ = 	snop  }
0x3c: {  	p2 =	seq.s32 s10, $0x1;
	s10 =	sld [smem:$0x3FB5]  }
0x3d: {  	_ =	shalt  }
0x3e: {  	_ =	shalt  }
0x3f: {  	_ =	shalt  }
0x40: {  	_ =	shalt  }
0x41: {  	_ =	shalt  }
0x42: {  	_ =	shalt  }
0x43: {  	_ =	shalt  }
0x44: {  	_ =	shalt  }
0x45: {  	_ =	shalt  }
0x46: {  	_ =	shalt  }
0x47: {  	_ =	shalt  }
0x48: {  	_ =	shalt  }
0x49: {  	_ =	shalt  }
0x4a: {  	_ =	shalt  }
0x4b: {  	_ =	shalt  }
0x4c: {  	_ =	shalt  }
0x4d: {  	_ =	shalt  }
0x4e: {  	_ =	shalt  }
0x4f: {  	_ =	shalt  }
0x50: {  	_ =	shalt  }
0x51: {  	_ =	shalt  }
0x52: {  	_ =	shalt  }
0x53: {  	_ =	shalt  }
0x54: {  	_ =	shalt  }
0x55: {  	_ =	shalt  }
0x56: {  	_ =	shalt  }
0x57: {  	_ =	shalt  }
0x58: {  	_ =	shalt  }
0x59: {  	_ =	shalt  }
0x5a: {  	_ =	shalt  }
0x5b: {  	_ =	shalt  }
0x5c: {  	_ =	shalt  }
0x5d: {  	_ =	shalt  }
0x5e: {  	_ =	shalt  }
0x5f: {  	_ =	shalt  }
0x60: {  	_ =	shalt  }
0x61: {  	_ =	shalt  }
0x62: {  	_ =	shalt  }
0x63: {  	_ =	shalt  }
0x64: {  	_ =	shalt  }
0x65: {  	_ =	shalt  }
0x66: {  	_ =	shalt  }
0x67: {  	_ =	shalt  }
0x68: {  	_ =	shalt  }
0x69: {  	_ =	shalt  }
0x6a: {  	_ =	shalt  }
0x6b: {  	_ =	shalt  }
0x6c: {  	_ =	shalt  }
0x6d: {  	_ =	shalt  }
0x6e: {  	_ =	shalt  }
0x6f: {  	_ =	shalt  }
0x70: {  	_ =	shalt  }
0x71: {  	_ =	shalt  }
0x72: {  	_ =	shalt  }
0x73: {  	_ =	shalt  }
0x74: {  	_ =	shalt  }
0x75: {  	_ =	shalt  }
0x76: {  	_ =	shalt  }
0x77: {  	_ =	shalt  }
0x78: {  	_ =	shalt  }
0x79: {  	_ =	shalt  }
0x7a: {  	_ =	shalt  }
0x7b: {  	_ =	shalt  }
0x7c: {  	_ =	shalt  }
0x7d: {  	_ =	shalt  }
0x7e: {  	_ =	shalt  }
0x7f: {  	_ =	shalt  }
0x80: {  	_ =	shalt  }
0x81: {  	_ =	shalt  }
0x82: {  	_ =	shalt  }
0x83: {  	_ =	shalt  }
0x84: {  	_ =	shalt  }
0x85: {  	_ =	shalt  }
0x86: {  	_ =	shalt  }
0x87: {  	_ =	shalt  }
.Lfunc_end0:
.L_simem_size_0:
called_computation.1_lowered:
.L_overlay_start_0:
0x88: {  	s2 =	sld [smem:$0x3FD9]  }
0x89: {  	s3 =	sld [smem:$0x3FFE];
	_ =	sdelay $0x1  }
0x8a: {  	s1 =	srdreg.scid  }
0x8b: {  	s0 =	sand.u32 $0x1, s1  }
0x8c: {  	s17 =	sshll.u32 s0, $0xA;
	s2 =	sadd.s32 s3, s2  }
0x8d: {  	s2 =	sadd.s32 s2, s17  }
0x8e: {  	[smem:$0x3FC1] =	sst s2  }
0x8f: {  	_ = 	snop  }
0x90: {  	s2 =	sld [smem:$0x3FD0];
	(tm) =	ssettm $0x1  }
0x91: {  	s18 =	sld [smem:$0x3FFB];
	_ =	sdelay $0x3  }
0x92: {  	_ =	strace s18  }
0x93: {  	s3 =	sld [smem:$0x3FFC];
	_ =	sdelay $0x3  }
0x94: {  	_ =	strace s3  }
0x95: {  	s3 =	sld [smem:$0x3FFD];
	_ =	sdelay $0x3  }
0x96: {  	_ =	strace s3  }
0x97: {  	_ =	strace $0x8FFFFFFF  }
0x98: {  	s19 =	sld [smem:$0x3FDB];
	_ =	sdelay $0x1  }
0x99: {  	s4 =	simm.s32 $_scs_section_size  }
0x9a: {  	s5 =	simm.s32 $_size__tile_overlayer_lowered;
	s6 =	simm.s32 $_tile_overlayer_lowered  }
0x9b: {  	s22 =	simm.s32 $0x1BFF;
	s21 =	sshll.u32 s6, $0x1;
	s3 =	sadd.s32 s4, s19  }
0x9c: {  	s7 =	simm.s32 $0x0;
	s20 =	sshll.u32 s5, $0x1;
	s5 =	sadd.s32 s21, s3  }
0x9d: {  	[timem:s7], [sflag:s22] =	dma.local [hbm:s5], s20  }
0x9e: {  	_ =	swait.ge [sflag:s22], s20  }
0x9f: {  	s4 =	ssub.s32 $0x0, s20;
	[sflag:s22] =	ssyncset.done $0x0  }
0xa0: {  	[sflag:s22] =	ssyncadd.s32 s4;
	_ =	sdelay $0x1  }
0xa1: {  	s23 =	simm.s32 $0x1B8B  }
0xa2: {  	_ =	swait.ge [sflag:s23], $0x1  }
0xa3: {  	[sflag:s23] =	ssyncset.done $0x0  }
0xa4: {  	s25 =	simm.s32 $0x1B8E;
	s24 =	sld [smem:$0x3FFE];
	[sflag:s23] =	ssyncadd.s32 $0xFFFFFFFF  }
0xa5: {  	s26 =	simm.s32 $execute0_lowered;
	[smem:$0x3FD2] =	sst s25  }
0xa6: {  	s5 =	sshll.u32 s26, $0x1;
	_ =	strace $0x80000049;
	[dreg:$0x1] =	wrdreg $0xFFFFFFFF  }
0xa7: {  	s28 =	simm.s32 $_size_execute0_lowered;
	s3 =	sadd.s32 s3, s5;
	[dreg:$0x0] =	wrdreg $0x0  }
0xa8: {  	s5 =	sshll.u32 s28, $0x1;
	[dreg:$0x2] =	wrdreg s3  }
0xa9: {  	[dreg:$0x3] =	wrdreg s5  }
0xaa: {  	[dreg:$0x4] =	wrdreg $0xC0  }
0xab: {  	_ =	task [dreg:s7], $0x5FFFF  }
0xac: {  	[dreg:$0x1] =	wrdreg $0xFFFFFFFF  }
0xad: {  	[dreg:$0x0] =	wrdreg $0x60  }
0xae: {  	[dreg:$0x2] =	wrdreg s2  }
0xaf: {  	[dreg:$0x3] =	wrdreg s24  }
0xb0: {  	[dreg:$0x4] =	wrdreg $0x0  }
0xb1: {  	[dreg:$0x5] =	wrdreg $0x9  }
0xb2: {  	_ =	task.clear_ibuf [dreg:s7], $0x6FFFF;
	_ =	strace $0x90000049  }
0xb3: {  	s29 =	simm.s32 $0x9;
	_ =	strace $0x8000004B  }
0xb4: {  	_ =	swait.ge [sflag:s29], $0x1  }
0xb5: {  	[sflag:s29] =	ssyncadd.s32 $0xFFFFFFFF  }
0xb6: {  	_ =	strace $0x9000004B  }
0xb7: {  	_ =	sfence  }
0xb8: {  	s30 =	sld [smem:$0x0];
	_ =	sdelay $0x2  }
0xb9: {  	s31 =	sshll.u32 s1, $0xD;
	s1 =	sshrl.u32 s1, $0x2  }
0xba: {  	s3 =	sand.u32 $0x4000, s31;
	s1 =	sadd.s32 s1, s30  }
0xbb: {  	s0 =	sor.u32 s3, s0;
	s1 =	sshll.u32 s1, $0x11  }
0xbc: {  	s0 =	sor.u32 s1, s0  }
0xbd: {  	s0 =	sadd.s32 $0x8F2B, s0  }
0xbe: {  	[sflag:s0] =	ssyncadd.remote.s32 $0x1  }
0xbf: {  	_ =	sfence.sel $0xFFFF  }
0xc0: {  	[dreg:$0x0] =	wrdreg $0xFFFFFFFF;
	(pc) =	sbr.abs _section_cstart, $3  }
0xc1: {  	[dreg:$0x1] =	wrdreg $0xFFFFFFFF  }
0xc2: {  	_ =	task.clear_ibuf [dreg:s7], $0x2FFFF;
	_ =	strace $0x9FFFFFFF  }
0xc3: {  	(tm) =	ssettm $0x7FFFFFFF  }
tec
execute0_lowered:
.L_overlay_start_1:
0x0: {  	(tag) =	ssettag $0x1  }
0x1: {  	s1 =	rddreg [dreg:$0x0]  }
0x2: {  	s0 =	srdreg.scid;
	s7 =	rddreg [dreg:$0x1]  }
0x3: {  	s4 =	stileid.u32;
	s3 =	rddreg [dreg:$0x2];
	s6 =	simm.s32 $0x0  }
0x4: {  	s16 =	simm.s32 $0x7;
	s18 =	simm.s32 $0x9C40;
	s19 =	simm.s32 $0xC3C0  }
0x5: {  	s20 =	simm.s32 $0x80;
	s21 =	simm.s32 $0xEB40;
	s23 =	simm.s32 $0x10B40  }
0x6: {  	s24 =	simm.s32 $0x1;
	s28 =	simm.s32 $0x2;
	s30 =	simm.s32 $0x4  }
0x7: {  	s22 =	simm.s32 $0x5;
	s25 =	simm.s32 $0x6;
	s0 =	sand.u32 $0x1, s0  }
0x8: {  	s2 =	sshll.u32 s4, $0x1;
	[smem:$0x7FF] =	sst s6;
	s26 =	smul.u32 $0x9C00, s4  }
0x9: {  	s13 =	sadd.s32 $0x50400, s7;
	s31 =	sshll.u32 s4, $0x6;
	s10 =	smul.u32 $0x13800, s4  }
0xa: {  	s17 =	sadd.s32 $0x9C000, s3;
	p0 =	sne.s32 s4, $0xF;
	p1 =	sgt.u32 s4, $0x1  }
0xb: {  	s2 =	sor.u32 s0, s2;
	_ =	strace $0x8000004A;
	s8 =	ssub.s32 $0x2, s0  }
0xc: {  	s11 =	sshll.u32 s0, $0x6;
	s0 =	sshll.u32 s0, $0x3;
	s17 =	sshrl.u32 @!p0 s17, $0x3  }
0xd: {  	s5 =	smul.u32 $0x4E, s2;
	s2 =	smin.u32 s2, $0x4;
	s29 =	sshrl.u32 s26, $0x3  }
0xe: {  	s9 =	sshrl.u32 s8, $0x1;
	s15 =	sadd.s32 s26, s3;
	s11 =	sor.u32 s11, s10  }
0xf: {  	s0 =	sadd.s32 s0, s13;
	s26 =	simm.s32 $0x12B40;
	s6 =	sadd.s32 s29, s7  }
0x10: {  	s14 =	ssub.s32 s8, s9;
	s12 =	sshrl.u32 s11, $0x3;
	s15 =	sshrl.u32 s15, $0x3  }
0x11: {  	s2 =	sadd.s32 s2, s5;
	s5 =	sadd.s32 $0x3CA00, s6;
	s6 =	sor.u32 $0x1C07, s31  }
0x12: {  	s12 =	sadd.s32 s13, s12;
	s13 =	sadd.s32 $0x27000, s0;
	s2 =	sshll.u32 s2, $0x4  }
0x13: {  	s14 =	smax.u32 s14, $0x1;
	s0 =	simm.s32 $0x0;
	s2 =	sadd.s32 s2, s7  }
0x14: {  	s7 =	sadd.s32 $0x50200, s7;
	s8 =	sadd.s32 $0x1C00, s2;
	s9 =	sadd.s32 $0xB840, s2  }
0x15: {  	s10 =	sadd.s32 $0x20E0, s2;
	s11 =	sadd.s32 $0xBD20, s2;
	s2 =	simm.s32 $0x3  }
.LBB2_1:
0x16: {  	[spmem:s15], [sflag:s6] =	dma.local [hbm:s5], $0x1380  }
0x17: {  	_ =	swait.ge [sflag:s16], $0x1380  }
0x18: {  	[sflag:s16] =	ssyncset.done $0x0  }
0x19: {  	s29 =	simm.s32 @!p0 $0x7;
	[sflag:s16] =	ssyncadd.s32 $0xFFFFEC80  }
0x1a: {  	[spmem:s17], [sflag:s6] =	dma.local @!p0 [hbm:s7], $0x80  }
0x1b: {  	_ =	swait.ge @!p0 [sflag:s29], $0x80  }
0x1c: {  	[sflag:s29] =	ssyncset.done @!p0 $0x0  }
0x1d: {  	s4 =	simm.s32 $0x0;
	[sflag:s29] =	ssyncadd.s32 @!p0 $0xFFFFFF80  }
0x1e: {  	[tilespmem:s18], [sflag:$0x7] =	stream.linear.gather [hbm4b:s8+s4], $0x2700, $0x38;
	[tilespmem:$0x14B40] =	vst v63  }
0x1f: {  	_ =	swait.ge [sflag:s16], $0x2700  }
0x20: {  	[sflag:s16] =	ssyncset.done $0x0  }
0x21: {  	[sflag:s16] =	ssyncadd.s32 $0xFFFFD900  }
0x22: {  	[tilespmem:s19], [sflag:$0x7] =	stream.linear.gather [hbm4b:s9+s4], $0x2700, $0x38;
	[tilespmem:$0x14B40] =	vst v63  }
0x23: {  	_ =	swait.ge [sflag:s16], $0x2700  }
0x24: {  	[sflag:s16] =	ssyncset.done $0x0  }
0x25: {  	s31 =	simm.s32 @!p1 $0xC340;
	s29 =	simm.s32 @!p1 $0x0;
	[sflag:s16] =	ssyncadd.s32 $0xFFFFD900  }
0x26: {  	[tilespmem:s31], [sflag:$0x7] =	stream.linear.gather @!p1 [hbm4b:s10+s29], $0x80, $0x38;
	[tilespmem:$0x14B40] =	vst v63  }
0x27: {  	s31 =	simm.s32 @!p1 $0x7  }
0x28: {  	_ =	swait.ge @!p1 [sflag:s31], $0x80  }
0x29: {  	[sflag:s31] =	ssyncset.done @!p1 $0x0  }
0x2a: {  	s4 =	simm.s32 @!p1 $0xEAC0;
	[sflag:s31] =	ssyncadd.s32 @!p1 $0xFFFFFF80  }
0x2b: {  	[tilespmem:s4], [sflag:$0x7] =	stream.linear.gather @!p1 [hbm4b:s11+s29], $0x80, $0x38;
	[tilespmem:$0x14B40] =	vst v63  }
0x2c: {  	_ =	swait.ge @!p1 [sflag:s31], $0x80  }
0x2d: {  	[sflag:s31] =	ssyncset.done @!p1 $0x0  }
0x2e: {  	[sflag:s31] =	ssyncadd.s32 @!p1 $0xFFFFFF80  }
0x2f: {  	[bflag:$0x0] =	sbarrier.arrive $0xFFFF  }
0x30: {  	[tilespmem:s21], [sflag:$0x1] =	stream.indirect.gather [hbm4b:s1+s20], $0x40, s18, s20, $0xb8;
	[tilespmem:$0x14B40] =	vst v63  }
0x31: {  	s4 =	simm.s32 $0x9CC0  }
0x32: {  	[tilespmem:s23], [sflag:$0x2] =	stream.indirect.gather [hbm4b:s1+s20], $0x40, s4, s20, $0xb8;
	[tilespmem:$0x14B40] =	vst v63  }
0x33: {  	_ =	swait.ge [sflag:s24], $0x2000  }
0x34: {  	[sflag:s24] =	ssyncset.done $0x0  }
0x35: {  	[sflag:s24] =	ssyncadd.s32 $0xFFFFE000  }
0x36: {  	[spmem:s3] =	stream.indirect.scatter.add.f32 [tilespmem:s21], [sflag:$0x4], $0x40, s19, s20, $0xb8;
	[tilespmem:$0x14B40] =	vst v63  }
0x37: {  	s4 =	simm.s32 $0x9D40  }
0x38: {  	[tilespmem:s26], [sflag:$0x3] =	stream.indirect.gather [hbm4b:s1+s20], $0x40, s4, s20, $0xb8;
	[tilespmem:$0x14B40] =	vst v63  }
0x39: {  	_ =	swait.ge [sflag:s28], $0x2000  }
0x3a: {  	[sflag:s28] =	ssyncset.done $0x0  }
0x3b: {  	s4 =	simm.s32 $0xC440;
	[sflag:s28] =	ssyncadd.s32 $0xFFFFE000  }
0x3c: {  	[spmem:s3] =	stream.indirect.scatter.add.f32 [tilespmem:s23], [sflag:$0x5], $0x40, s4, s20, $0xb8;
	[tilespmem:$0x14B40] =	vst v63  }
0x3d: {  	_ =	swait.ge [sflag:s30], $0x2000  }
0x3e: {  	[sflag:s30] =	ssyncset.done $0x0  }
0x3f: {  	s4 =	simm.s32 $0x9DC0;
	[sflag:s30] =	ssyncadd.s32 $0xFFFFE000  }
0x40: {  	[tilespmem:s21], [sflag:$0x1] =	stream.indirect.gather [hbm4b:s1+s20], $0x40, s4, s20, $0xb8;
	[tilespmem:$0x14B40] =	vst v63  }
0x41: {  	_ =	swait.ge [sflag:s2], $0x2000  }
0x42: {  	[sflag:s2] =	ssyncset.done $0x0  }
0x43: {  	s4 =	simm.s32 $0xC4C0;
	[sflag:s2] =	ssyncadd.s32 $0xFFFFE000  }
0x44: {  	[spmem:s3] =	stream.indirect.scatter.add.f32 [tilespmem:s26], [sflag:$0x6], $0x40, s4, s20, $0xb8;
	[tilespmem:$0x14B40] =	vst v63  }
0x45: {  	_ =	swait.ge [sflag:s22], $0x2000  }
0x46: {  	[sflag:s22] =	ssyncset.done $0x0  }
0x47: {  	s4 =	simm.s32 $0x9E40;
	[sflag:s22] =	ssyncadd.s32 $0xFFFFE000  }
0x48: {  	[tilespmem:s23], [sflag:$0x2] =	stream.indirect.gather [hbm4b:s1+s20], $0x40, s4, s20, $0xb8;
	[tilespmem:$0x14B40] =	vst v63  }
0x49: {  	_ =	swait.ge [sflag:s24], $0x2000  }
0x4a: {  	[sflag:s24] =	ssyncset.done $0x0  }
0x4b: {  	s4 =	simm.s32 $0xC540;
	[sflag:s24] =	ssyncadd.s32 $0xFFFFE000  }
0x4c: {  	[spmem:s3] =	stream.indirect.scatter.add.f32 [tilespmem:s21], [sflag:$0x4], $0x40, s4, s20, $0xb8;
	[tilespmem:$0x14B40] =	vst v63  }
0x4d: {  	_ =	swait.ge [sflag:s25], $0x2000  }
0x4e: {  	[sflag:s25] =	ssyncset.done $0x0  }
0x4f: {  	s4 =	simm.s32 $0x9EC0;
	[sflag:s25] =	ssyncadd.s32 $0xFFFFE000  }
0x50: {  	[tilespmem:s26], [sflag:$0x3] =	stream.indirect.gather [hbm4b:s1+s20], $0x40, s4, s20, $0xb8;
	[tilespmem:$0x14B40] =	vst v63  }
0x51: {  	_ =	swait.ge [sflag:s28], $0x2000  }
0x52: {  	[sflag:s28] =	ssyncset.done $0x0  }
0x53: {  	s4 =	simm.s32 $0xC5C0;
	[sflag:s28] =	ssyncadd.s32 $0xFFFFE000  }
0x54: {  	[spmem:s3] =	stream.indirect.scatter.add.f32 [tilespmem:s23], [sflag:$0x5], $0x40, s4, s20, $0xb8;
	[tilespmem:$0x14B40] =	vst v63  }
0x55: {  	_ =	swait.ge [sflag:s30], $0x2000  }
0x56: {  	[sflag:s30] =	ssyncset.done $0x0  }
0x57: {  	s4 =	simm.s32 $0x9F40;
	[sflag:s30] =	ssyncadd.s32 $0xFFFFE000  }
0x58: {  	[tilespmem:s21], [sflag:$0x1] =	stream.indirect.gather [hbm4b:s1+s20], $0x40, s4, s20, $0xb8;
	[tilespmem:$0x14B40] =	vst v63  }
0x59: {  	_ =	swait.ge [sflag:s2], $0x2000  }
0x5a: {  	[sflag:s2] =	ssyncset.done $0x0  }
0x5b: {  	s29 =	simm.s32 $0x600;
	s31 =	simm.s32 $0xC640;
	[sflag:s2] =	ssyncadd.s32 $0xFFFFE000  }
.LBB2_2:
0x5c: {  	[spmem:s3] =	stream.indirect.scatter.add.f32 [tilespmem:s26], [sflag:$0x6], $0x40, s31, s20, $0xb8;
	[tilespmem:$0x14B40] =	vst v63  }
0x5d: {  	s4 =	smov.u32 s29;
	s29 =	sadd.s32 $0x600, s29;
	_ =	swait.ge [sflag:s22], $0x2000  }
0x5e: {  	s4 =	sshra.s32 s4, $0x2;
	p2 =	sne.s32 s29, $0x9000;
	[sflag:s22] =	ssyncset.done $0x0  }
0x5f: {  	s31 =	sadd.s32 $0x9E40, s4;
	[sflag:s22] =	ssyncadd.s32 $0xFFFFE000  }
0x60: {  	[tilespmem:s23], [sflag:$0x2] =	stream.indirect.gather [hbm4b:s1+s20], $0x40, s31, s20, $0xb8;
	[tilespmem:$0x14B40] =	vst v63  }
0x61: {  	_ =	swait.ge [sflag:s24], $0x2000  }
0x62: {  	[sflag:s24] =	ssyncset.done $0x0  }
0x63: {  	s31 =	sadd.s32 $0xC540, s4;
	[sflag:s24] =	ssyncadd.s32 $0xFFFFE000  }
0x64: {  	[spmem:s3] =	stream.indirect.scatter.add.f32 [tilespmem:s21], [sflag:$0x4], $0x40, s31, s20, $0xb8;
	[tilespmem:$0x14B40] =	vst v63  }
0x65: {  	_ =	swait.ge [sflag:s25], $0x2000  }
0x66: {  	[sflag:s25] =	ssyncset.done $0x0  }
0x67: {  	s31 =	sadd.s32 $0x9EC0, s4;
	[sflag:s25] =	ssyncadd.s32 $0xFFFFE000  }
0x68: {  	[tilespmem:s26], [sflag:$0x3] =	stream.indirect.gather [hbm4b:s1+s20], $0x40, s31, s20, $0xb8;
	[tilespmem:$0x14B40] =	vst v63  }
0x69: {  	_ =	swait.ge [sflag:s28], $0x2000  }
0x6a: {  	[sflag:s28] =	ssyncset.done $0x0  }
0x6b: {  	s31 =	sadd.s32 $0xC5C0, s4;
	[sflag:s28] =	ssyncadd.s32 $0xFFFFE000  }
0x6c: {  	[spmem:s3] =	stream.indirect.scatter.add.f32 [tilespmem:s23], [sflag:$0x5], $0x40, s31, s20, $0xb8;
	[tilespmem:$0x14B40] =	vst v63  }
0x6d: {  	_ =	swait.ge [sflag:s30], $0x2000  }
0x6e: {  	[sflag:s30] =	ssyncset.done $0x0  }
.Ltmp0:
0x6f: {  	s31 =	sadd.s32 $0x9F40, s4;
	[sflag:s30] =	ssyncadd.s32 $0xFFFFE000;
	(pc) =	sbr.rel @p2 .LBB2_2-.Ltmp0, $4  }
0x70: {  	[tilespmem:s21], [sflag:$0x1] =	stream.indirect.gather [hbm4b:s1+s20], $0x40, s31, s20, $0xb8;
	[tilespmem:$0x14B40] =	vst v63  }
0x71: {  	_ =	swait.ge [sflag:s2], $0x2000  }
0x72: {  	[sflag:s2] =	ssyncset.done $0x0  }
0x73: {  	s31 =	sadd.s32 $0xC640, s4;
	[sflag:s2] =	ssyncadd.s32 $0xFFFFE000  }
0x74: {  	[spmem:s3] =	stream.indirect.scatter.add.f32 [tilespmem:s26], [sflag:$0x6], $0x40, s31, s20, $0xb8;
	[tilespmem:$0x14B40] =	vst v63  }
0x75: {  	_ =	swait.ge [sflag:s22], $0x2000  }
0x76: {  	s4 =	sshra.s32 s29, $0x2;
	[sflag:s22] =	ssyncset.done $0x0  }
0x77: {  	s29 =	sadd.s32 $0x9E40, s4;
	[sflag:s22] =	ssyncadd.s32 $0xFFFFE000  }
0x78: {  	[tilespmem:s23], [sflag:$0x2] =	stream.indirect.gather [hbm4b:s1+s20], $0x40, s29, s20, $0xb8;
	[tilespmem:$0x14B40] =	vst v63  }
0x79: {  	_ =	swait.ge [sflag:s24], $0x2000  }
0x7a: {  	[sflag:s24] =	ssyncset.done $0x0  }
0x7b: {  	s31 =	sadd.s32 $0xC540, s4;
	[sflag:s24] =	ssyncadd.s32 $0xFFFFE000  }
0x7c: {  	[spmem:s3] =	stream.indirect.scatter.add.f32 [tilespmem:s21], [sflag:$0x4], $0x40, s31, s20, $0xb8;
	[tilespmem:$0x14B40] =	vst v63  }
0x7d: {  	_ =	swait.ge [sflag:s25], $0x2000  }
0x7e: {  	[sflag:s25] =	ssyncset.done $0x0  }
0x7f: {  	s31 =	sadd.s32 $0x9EC0, s4;
	[sflag:s25] =	ssyncadd.s32 $0xFFFFE000  }
0x80: {  	[tilespmem:s26], [sflag:$0x3] =	stream.indirect.gather [hbm4b:s1+s20], $0x40, s31, s20, $0xb8;
	[tilespmem:$0x14B40] =	vst v63  }
0x81: {  	_ =	swait.ge [sflag:s28], $0x2000  }
0x82: {  	[sflag:s28] =	ssyncset.done $0x0  }
0x83: {  	s31 =	sadd.s32 $0xC5C0, s4;
	[sflag:s28] =	ssyncadd.s32 $0xFFFFE000  }
0x84: {  	[spmem:s3] =	stream.indirect.scatter.add.f32 [tilespmem:s23], [sflag:$0x5], $0x40, s31, s20, $0xb8;
	[tilespmem:$0x14B40] =	vst v63  }
0x85: {  	_ =	swait.ge [sflag:s30], $0x2000  }
0x86: {  	[sflag:s30] =	ssyncset.done $0x0  }
0x87: {  	[sflag:s30] =	ssyncadd.s32 $0xFFFFE000  }
0x88: {  	_ =	swait.ge [sflag:s2], $0x2000  }
0x89: {  	[sflag:s2] =	ssyncset.done $0x0  }
0x8a: {  	s4 =	sadd.s32 $0xC640, s4;
	[sflag:s2] =	ssyncadd.s32 $0xFFFFE000  }
0x8b: {  	[spmem:s3] =	stream.indirect.scatter.add.f32 [tilespmem:s26], [sflag:$0x6], $0x40, s4, s20, $0xb8;
	[tilespmem:$0x14B40] =	vst v63  }
0x8c: {  	_ =	swait.ge [sflag:s22], $0x2000  }
0x8d: {  	[sflag:s22] =	ssyncset.done $0x0  }
0x8e: {  	[sflag:s22] =	ssyncadd.s32 $0xFFFFE000  }
0x8f: {  	_ =	swait.ge [sflag:s25], $0x2000  }
0x90: {  	s29 =	simm.s32 @!p1 $0xC340;
	[sflag:s25] =	ssyncset.done $0x0  }
0x91: {  	s31 =	simm.s32 @!p1 $0xEB40;
	s4 =	simm.s32 @!p1 $0x80;
	[sflag:s25] =	ssyncadd.s32 $0xFFFFE000  }
0x92: {  	[tilespmem:s31], [sflag:$0x1] =	stream.indirect.gather @!p1 [hbm4b:s1+s4], $0x40, s29, s4, $0xb8;
	[tilespmem:$0x14B40] =	vst v63  }
0x93: {  	s29 =	simm.s32 @!p1 $0x1  }
0x94: {  	_ =	swait.ge @!p1 [sflag:s29], $0x2000  }
0x95: {  	[sflag:s29] =	ssyncset.done @!p1 $0x0  }
0x96: {  	[sflag:s29] =	ssyncadd.s32 @!p1 $0xFFFFE000;
	s29 =	simm.s32 @!p1 $0xEAC0  }
0x97: {  	[spmem:s3] =	stream.indirect.scatter.add.f32 @!p1 [tilespmem:s31], [sflag:$0x4], $0x40, s29, s4, $0xb8;
	[tilespmem:$0x14B40] =	vst v63  }
0x98: {  	s4 =	simm.s32 @!p1 $0x4  }
0x99: {  	_ =	swait.ge @!p1 [sflag:s4], $0x2000  }
0x9a: {  	[sflag:s4] =	ssyncset.done @!p1 $0x0  }
0x9b: {  	[sflag:s4] =	ssyncadd.s32 @!p1 $0xFFFFE000  }
0x9c: {  	s31 =	simm.s32 $0x8;
	s4 =	simm.s32 $0x10;
	[bflag:$0x0] =	sbarrier.arrive $0xFFFF  }
0x9d: {  	[hbm:s12@s4], [sflag:s6] =	dma.strided [spmem:s15@s31], $0x1380, s24, $0x8   }
0x9e: {  	s0 =	sadd.s32 $0x1, s0;
	_ =	swait.ge [sflag:s16], $0x1380  }
0x9f: {  	p2 =	sne.s32 s0, s14;
	s29 =	simm.s32 @!p0 $0x10;
	[sflag:s16] =	ssyncset.done $0x0  }
0xa0: {  	s4 =	simm.s32 @!p0 $0x1;
	s31 =	simm.s32 @!p0 $0x8;
	[sflag:s16] =	ssyncadd.s32 $0xFFFFEC80  }
0xa1: {  	[hbm:s13@s29], [sflag:s6] =	dma.strided @!p0 [spmem:s17@s31], $0x80, s4, $0x8   }
.Ltmp1:
0xa2: {  	_ = 	snop;
	(pc) =	sbr.rel @p2 .LBB2_1-.Ltmp1, $4  }
0xa3: {  	s4 =	simm.s32 @!p0 $0x7  }
0xa4: {  	_ =	swait.ge @!p0 [sflag:s4], $0x80  }
0xa5: {  	[sflag:s4] =	ssyncset.done @!p0 $0x0  }
0xa6: {  	[sflag:s4] =	ssyncadd.s32 @!p0 $0xFFFFFF80  }
0xa7: {  	_ =	sfence.sel $0x180000  }
0xa8: {  	[bflag:$0x0] =	sbarrier.arrive $0xFFFF  }
0xa9: {  	_ =	strace $0x9000004A  }
0xaa: {  	s0 =	stileid.u32;
	[bflag:$0x2] =	sbarrier.arrive $0xFFFF  }
0xab: {  	p0 =	sne.s32 s0, $0x0;
	s0 =	rddreg [dreg:$0x3]  }
0xac: {  	s0 =	sadd.s32 @!p0 $0x100000, s0  }
0xad: {  	[sflag:s0] =	ssyncadd.tile.s32 @!p0 $0x1;
	_ =	shalt  }
.Lfunc_end2:
_tile_overlayer_lowered:
.L_overlay_start_2:
0xae: {  	(tag) =	ssettag $0x2  }
0xaf: {  	s0 =	rddreg [dreg:$0x0];
	s2 =	stileid.u32  }
0xb0: {  	s1 =	rddreg [dreg:$0x1];
	p0 =	sne.s32 s2, $0x0  }
0xb1: {  	s3 =	rddreg [dreg:$0x2];
	[bflag:$0x3] =	sbarrier.arrive $0xFFFF;
	s2 =	simm.s32 @!p0 $0x1C07  }
0xb2: {  	[timem:s3], [sflag:s2] =	dma.local @!p0 [hbm:s0], s1  }
0xb3: {  	s0 =	simm.s32 @!p0 $0x7  }
0xb4: {  	_ =	swait.ge @!p0 [sflag:s0], s1  }
0xb5: {  	s1 =	ssub.s32 @!p0 $0x0, s1;
	[sflag:s0] =	ssyncset.done @!p0 $0x0  }
0xb6: {  	[sflag:s0] =	ssyncadd.s32 @!p0 s1  }
0xb7: {  	[bflag:$0x3] =	sbarrier.arrive $0xFFFF  }
0xb8: {  	_ =	shalt  }

</sc_bundles>
